<compile_context>
chip_gen: v7x
topology: tpu7x:2x2x1
jax: 0.10.2.dev20260603
libtpu: 0.0.44.dev20260713+nightly
codegen_flags: <defaults>
</compile_context>

<pallas_src>
import functools

import jax
import jax.numpy as jnp
from jax import lax
from jax.experimental import pallas as pl
from jax.experimental.pallas import tpu as pltpu
from jax.experimental.pallas import tpu_sc as plsc

_K = 8192
_D = 256
_N = 8192
_BT = 1024
_KC = 512

_NC = 2
_NS = 16
_L = 16
_NW = _NC * _NS
_BPW = _N // _NW
_CH = 128
_NCH = _BPW // _CH
_KPC = _K // _NS



def _argmin_kernel(x_ref, e_ref, ind_ref, dsum_ref,
                   a_sc, bm_sc, bi_sc):
    t_id = pl.program_id(0)
    kc = pl.program_id(1)
    nkc = pl.num_programs(1)
    xf = x_ref[...]

    @pl.when(kc == 0)
    def _start():
        x = x_ref[...]
        a_sc[...] = jnp.sum(x * x, axis=1).reshape(1, _BT)
        bm_sc[...] = jnp.full((1, _BT), jnp.inf, dtype=jnp.float32)
        bi_sc[...] = jnp.zeros((1, _BT), dtype=jnp.int32)

    e = e_ref[pl.ds(kc * _KC, _KC), :]
    b2 = jax.lax.dot_general(
        e, xf + xf, (((1,), (1,)), ((), ())),
        preferred_element_type=jnp.float32)
    c = jnp.sum(e * e, axis=1, keepdims=True)
    t = (a_sc[...] - b2) + c
    m = jnp.min(t, axis=0, keepdims=True)
    io = jax.lax.broadcasted_iota(jnp.int32, (_KC, _BT), 0) + kc * _KC
    idxc = jnp.min(jnp.where(t == m, io, 2 ** 30), axis=0, keepdims=True)
    upd = m < bm_sc[...]
    bi_sc[...] = jnp.where(upd, idxc, bi_sc[...])
    bm_sc[...] = jnp.where(upd, m, bm_sc[...])

    @pl.when(kc == nkc - 1)
    def _finish():
        ind_ref[...] = bi_sc[...].reshape(1, 1, _BT)
        blk = jnp.sum(bm_sc[...])

        @pl.when(t_id == 0)
        def _init():
            dsum_ref[0, 0] = 0.0

        dsum_ref[0, 0] += blk


def _run_argmin(x2d, embed):
    ind, dsum = pl.pallas_call(
        _argmin_kernel,
        grid=(_N // _BT, _K // _KC),
        in_specs=[
            pl.BlockSpec((_BT, _D), lambda t, k: (t, 0)),
            pl.BlockSpec((_K, _D), lambda t, k: (0, 0)),
        ],
        out_specs=[
            pl.BlockSpec((1, 1, _BT), lambda t, k: (t, 0, 0)),
            pl.BlockSpec(memory_space=pltpu.SMEM, block_shape=(1, 1),
                         index_map=lambda t, k: (0, 0)),
        ],
        out_shape=[
            jax.ShapeDtypeStruct((_N // _BT, 1, _BT), jnp.int32),
            jax.ShapeDtypeStruct((1, 1), jnp.float32),
        ],
        scratch_shapes=[
            pltpu.VMEM((1, _BT), jnp.float32),
            pltpu.VMEM((1, _BT), jnp.float32),
            pltpu.VMEM((1, _BT), jnp.int32),
        ],
    )(x2d, embed)
    return ind.reshape(_NW * _NCH, _CH), dsum



@functools.cache
def _make_sc_gather_counts():
    mesh = plsc.VectorSubcoreMesh(core_axis_name="c", subcore_axis_name="s")
    return functools.partial(
        pl.kernel, mesh=mesh,
        out_type=[
            jax.ShapeDtypeStruct((_N, _D), jnp.float32),
            jax.ShapeDtypeStruct((_NC * _K,), jnp.float32),
        ],
        scratch_types=[
            pltpu.VMEM((_NCH, _CH), jnp.int32),
            pltpu.VMEM((_BPW, _D), jnp.float32),
            pltpu.VMEM((_CH,), jnp.float32),
            pltpu.VMEM((_KPC,), jnp.float32),
            pltpu.VMEM_SHARED((_K,), jnp.float32),
            pltpu.SemaphoreType.DMA,
        ],
    )(_sc_gather_counts_body)


def _sc_gather_counts_body(embed_hbm, idx_hbm, quant_hbm, cnt_hbm,
                           idx_v, rows_v, ones_v, slice_v, shared_cnt, sem):
    c = lax.axis_index("c")
    s = lax.axis_index("s")
    wid = s * _NC + c
    base = wid * _BPW

    pltpu.sync_copy(idx_hbm.at[pl.ds(wid * _NCH, _NCH)], idx_v)

    def _zero(i, _):
        slice_v[pl.ds(i * _L, _L)] = jnp.zeros((_L,), jnp.float32)
        return 0
    lax.fori_loop(0, _KPC // _L, _zero, 0)
    pltpu.sync_copy(slice_v, shared_cnt.at[pl.ds(s * _KPC, _KPC)])

    def _ones(i, _):
        ones_v[pl.ds(i * _L, _L)] = jnp.ones((_L,), jnp.float32)
        return 0
    lax.fori_loop(0, _CH // _L, _ones, 0)

    plsc.subcore_barrier()

    for j in range(_NCH):
        pltpu.async_copy(embed_hbm.at[idx_v.at[j]],
                         rows_v.at[pl.ds(j * _CH, _CH)], sem).wait()
        pltpu.sync_copy(ones_v, shared_cnt.at[idx_v.at[j]], add=True)

    pltpu.sync_copy(rows_v, quant_hbm.at[pl.ds(base, _BPW)])

    plsc.subcore_barrier()
    pltpu.sync_copy(shared_cnt.at[pl.ds(s * _KPC, _KPC)], slice_v)
    pltpu.sync_copy(slice_v, cnt_hbm.at[pl.ds(c * _K + s * _KPC, _KPC)])



def _finalize_kernel(cnt_ref, num_ref, perp_ref):
    cnts = jnp.sum(cnt_ref[...], axis=0, keepdims=True)
    num_ref[...] = cnts
    avg = cnts * (1.0 / _N)
    perp_ref[0, 0] = jnp.exp(-jnp.sum(avg * jnp.log(avg + 1e-10)))


def _run_finalize(cnt2):
    num, perp = pl.pallas_call(
        _finalize_kernel,
        in_specs=[pl.BlockSpec((_NC, _K), lambda: (0, 0))],
        out_specs=[
            pl.BlockSpec((1, _K), lambda: (0, 0)),
            pl.BlockSpec(memory_space=pltpu.SMEM, block_shape=(1, 1),
                         index_map=lambda: (0, 0)),
        ],
        out_shape=[
            jax.ShapeDtypeStruct((1, _K), jnp.float32),
            jax.ShapeDtypeStruct((1, 1), jnp.float32),
        ],
    )(cnt2)
    return num.reshape(_K), perp[0, 0]


def kernel(input, embed):
    shape = input.shape
    x2d = input.reshape(-1, shape[-1])
    idx64, dsum = _run_argmin(x2d, embed)
    commit_loss = dsum[0, 0] / jnp.float32(_N * _D)
    quant2d, cnt2 = _make_sc_gather_counts()(embed, idx64)
    embed_num, perplexity = _run_finalize(cnt2.reshape(_NC, _K))
    quantize = quant2d.reshape(shape)
    return (quantize, embed_num, commit_loss, perplexity)

# --- scband reference (transcript-rebuilt; emitter-appended) ---
"""Pipeline reference for scband-vector-quantize-25589415149648 (READ-ONLY COPY).

The authoritative reference and input builder live on the scoring server;
editing this copy changes nothing except your own understanding.
"""

import jax, jax.numpy as jnp
import numpy as np

CODEBOOK_SIZE = 8192
DIM = 256
COMMITMENT = 1.0


def setup_inputs(seed: int = 0) -> dict:
    key = jax.random.key(seed)
    k1, k2 = jax.random.split(key)
    x = jax.random.normal(k1, (8, 1024, 256), dtype=jnp.float32)
    # embed buffer (kmeans_init=False -> kaiming uniform init); use scaled normal
    embed = jax.random.normal(k2, (CODEBOOK_SIZE, DIM), dtype=jnp.float32) * 0.05
    return {"input": x, "embed": embed}


def reference(input, embed):
    shape = input.shape
    dtype = input.dtype
    # preprocess: flatten all but last dim
    x = input.reshape(-1, shape[-1])
    # quantize: negative squared euclidean distance, argmax
    embed_t = embed.T
    dist = -(jnp.sum(x ** 2, axis=1, keepdims=True)
             - 2.0 * (x @ embed_t)
             + jnp.sum(embed_t ** 2, axis=0, keepdims=True))
    embed_ind_flat = jnp.argmax(dist, axis=-1)
    embed_onehot = jax.nn.one_hot(embed_ind_flat, CODEBOOK_SIZE, dtype=dtype)
    # postprocess_emb
    embed_ind = embed_ind_flat.reshape(shape[:-1])
    # dequantize (embedding lookup / gather)
    quantize = jnp.take(embed, embed_ind, axis=0)
    # straight-through estimator
    quantize = input + jax.lax.stop_gradient(quantize - input)
    commit_loss = jnp.mean((jax.lax.stop_gradient(quantize) - input) ** 2) * COMMITMENT
    avg_probs = jnp.mean(embed_onehot, axis=0)
    perplexity = jnp.exp(-jnp.sum(avg_probs * jnp.log(avg_probs + 1e-10)))
    embed_num = jnp.sum(embed_onehot, axis=0)
    return (quantize, embed_num, commit_loss, perplexity)

if __name__ == "__main__":
    import jax
    _d = setup_inputs()
    print(jax.jit(kernel)(*tuple(_d.values())))

</pallas_src>

<mosaic_0001>
#map = affine_map<(d0, d1) -> (0, 0)>
#map1 = affine_map<(d0, d1) -> (0)>
module attributes {stable_mosaic.version = 14 : i64} {
  func.func @_sc_gather_counts_body(%arg0: i32, %arg1: i32, %arg2: memref<8192x256xf32, #tpu.memory_space<hbm>>, %arg3: memref<64x128xi32, #tpu.memory_space<hbm>>, %arg4: memref<8192x256xf32, #tpu.memory_space<hbm>>, %arg5: memref<16384xf32, #tpu.memory_space<hbm>>, %arg6: memref<2x128xi32, #tpu.memory_space<vmem>>, %arg7: memref<256x256xf32, #tpu.memory_space<vmem>>, %arg8: memref<128xf32, #tpu.memory_space<vmem>>, %arg9: memref<512xf32, #tpu.memory_space<vmem>>, %arg10: memref<8192xf32, #tpu.memory_space<vmem_shared>>, %arg11: memref<!tpu.dma_semaphore, #tpu.memory_space<semaphore_mem>>) attributes {dimension_semantics = [#tpu.dimension_semantics<core_parallel>, #tpu.dimension_semantics<subcore_parallel>], iteration_bounds = array<i64: 2, 16>, scalar_prefetch = 0 : i64, scratch_operands = 6 : i64, tpu.core_type = #tpu.core_type<sc_vector_subcore>, window_params = [{transform_indices = #map}, {transform_indices = #map}, {transform_indices = #map}, {transform_indices = #map1}]} {
    %mul3A = arith.constant 2 : i32
    %mul3A_0 = arith.muli %arg1, %mul3A : i32
    %add3A = arith.addi %mul3A_0, %arg0 : i32
    %mul3A_1 = arith.constant 256 : i32
    %mul3A_2 = arith.muli %add3A, %mul3A_1 : i32
    %mul3A_3 = arith.constant 2 : i32
    %mul3A_4 = arith.muli %add3A, %mul3A_3 : i32
    "tpu.region"() ({
      %run_scoped3A_67 = tpu.sem_alloc : memref<!tpu.dma_semaphore, #tpu.memory_space<semaphore_mem>>
      %dma_start3A_68 = arith.constant 0 : i32
      %dma_start3A_69 = tpu.memref_slice %arg3[%mul3A_4, %dma_start3A_68] : memref<64x128xi32, #tpu.memory_space<hbm>> -> memref<2x128xi32, #tpu.memory_space<hbm>>
      %dma_start3A_70 = arith.constant 0 : i32
      %dma_start3A_71 = tpu.memref_slice %arg3[%mul3A_4, %dma_start3A_70] : memref<64x128xi32, #tpu.memory_space<hbm>> -> memref<2x128xi32, #tpu.memory_space<hbm>>
      tpu.enqueue_dma source(%dma_start3A_71 : memref<2x128xi32, #tpu.memory_space<hbm>>) target(%arg6 : memref<2x128xi32, #tpu.memory_space<vmem>>) target_semaphore(%run_scoped3A_67 : memref<!tpu.dma_semaphore, #tpu.memory_space<semaphore_mem>>)
      %dma_wait3A_72 = arith.constant 0 : i32
      %dma_wait3A_73 = tpu.memref_slice %arg3[%mul3A_4, %dma_wait3A_72] : memref<64x128xi32, #tpu.memory_space<hbm>> -> memref<2x128xi32, #tpu.memory_space<hbm>>
      %dma_wait3A_74 = arith.constant 0 : i32
      %dma_wait3A_75 = tpu.memref_slice %arg3[%mul3A_4, %dma_wait3A_74] : memref<64x128xi32, #tpu.memory_space<hbm>> -> memref<2x128xi32, #tpu.memory_space<hbm>>
      tpu.wait_dma2 semaphore(%run_scoped3A_67 : memref<!tpu.dma_semaphore, #tpu.memory_space<semaphore_mem>>) src(%dma_wait3A_75 : memref<2x128xi32, #tpu.memory_space<hbm>>) dst(%arg6 : memref<2x128xi32, #tpu.memory_space<vmem>>)
      tpu.yield
    }) : () -> ()
    %scan3A = arith.constant 0 : i32
    %scan3A_5 = arith.constant 0 : i32
    %scan3A_6 = arith.constant 32 : i32
    %scan3A_7 = arith.addi %scan3A_5, %scan3A_6 : i32
    %scan3A_8 = arith.constant 1 : i32
    %scan3A_9 = scf.for %scan3A_67 = %scan3A_5 to %scan3A_7 step %scan3A_8 iter_args(%scan3A_68 = %scan3A) -> (i32)  : i32 {
      %broadcast_in_dim3A = arith.constant 0.000000e+00 : f32
      %broadcast_in_dim3A_69 = vector.broadcast %broadcast_in_dim3A : f32 to vector<16xf32>
      %mul3A_70 = arith.constant 16 : i32
      %mul3A_71 = arith.muli %scan3A_67, %mul3A_70 : i32
      %swap3A = arith.index_cast %mul3A_71 : i32 to index
      %swap3A_72 = tpu.vector_load %arg9[%swap3A] {strides = array<i32>} : memref<512xf32, #tpu.memory_space<vmem>>, vector<16xf32>,
      %swap3A_73 = vector.shape_cast %swap3A_72 : vector<16xf32> to vector<16xf32>
      %swap3A_74 = vector.shape_cast %broadcast_in_dim3A_69 : vector<16xf32> to vector<16xf32>
      tpu.vector_store %arg9[%swap3A], %swap3A_74 {strides = array<i32>} : memref<512xf32, #tpu.memory_space<vmem>>, vector<16xf32>,
      %scan3A_75 = arith.constant 0 : i32
      scf.yield %scan3A_75 : i32
    }
    %scan3A_10 = arith.constant 32 : i32
    %mul3A_11 = arith.constant 512 : i32
    %mul3A_12 = arith.muli %arg1, %mul3A_11 : i32
    "tpu.region"() ({
      %run_scoped3A_67 = tpu.sem_alloc : memref<!tpu.dma_semaphore, #tpu.memory_space<semaphore_mem>>
      %dma_start3A_68 = tpu.memref_slice %arg10[%mul3A_12] : memref<8192xf32, #tpu.memory_space<vmem_shared>> -> memref<512xf32, #tpu.memory_space<vmem_shared>>
      %dma_start3A_69 = tpu.memref_slice %arg10[%mul3A_12] : memref<8192xf32, #tpu.memory_space<vmem_shared>> -> memref<512xf32, #tpu.memory_space<vmem_shared>>
      tpu.enqueue_dma source(%arg9 : memref<512xf32, #tpu.memory_space<vmem>>) target(%dma_start3A_69 : memref<512xf32, #tpu.memory_space<vmem_shared>>) target_semaphore(%run_scoped3A_67 : memref<!tpu.dma_semaphore, #tpu.memory_space<semaphore_mem>>)
      %dma_wait3A_70 = tpu.memref_slice %arg10[%mul3A_12] : memref<8192xf32, #tpu.memory_space<vmem_shared>> -> memref<512xf32, #tpu.memory_space<vmem_shared>>
      %dma_wait3A_71 = tpu.memref_slice %arg10[%mul3A_12] : memref<8192xf32, #tpu.memory_space<vmem_shared>> -> memref<512xf32, #tpu.memory_space<vmem_shared>>
      tpu.wait_dma2 semaphore(%run_scoped3A_67 : memref<!tpu.dma_semaphore, #tpu.memory_space<semaphore_mem>>) src(%arg9 : memref<512xf32, #tpu.memory_space<vmem>>) dst(%dma_wait3A_71 : memref<512xf32, #tpu.memory_space<vmem_shared>>)
      tpu.yield
    }) : () -> ()
    %scan3A_13 = arith.constant 0 : i32
    %scan3A_14 = arith.constant 0 : i32
    %scan3A_15 = arith.constant 8 : i32
    %scan3A_16 = arith.addi %scan3A_14, %scan3A_15 : i32
    %scan3A_17 = arith.constant 1 : i32
    %scan3A_18 = scf.for %scan3A_67 = %scan3A_14 to %scan3A_16 step %scan3A_17 iter_args(%scan3A_68 = %scan3A_13) -> (i32)  : i32 {
      %broadcast_in_dim3A = arith.constant 1.000000e+00 : f32
      %broadcast_in_dim3A_69 = vector.broadcast %broadcast_in_dim3A : f32 to vector<16xf32>
      %mul3A_70 = arith.constant 16 : i32
      %mul3A_71 = arith.muli %scan3A_67, %mul3A_70 : i32
      %swap3A = arith.index_cast %mul3A_71 : i32 to index
      %swap3A_72 = tpu.vector_load %arg8[%swap3A] {strides = array<i32>} : memref<128xf32, #tpu.memory_space<vmem>>, vector<16xf32>,
      %swap3A_73 = vector.shape_cast %swap3A_72 : vector<16xf32> to vector<16xf32>
      %swap3A_74 = vector.shape_cast %broadcast_in_dim3A_69 : vector<16xf32> to vector<16xf32>
      tpu.vector_store %arg8[%swap3A], %swap3A_74 {strides = array<i32>} : memref<128xf32, #tpu.memory_space<vmem>>, vector<16xf32>,
      %scan3A_75 = arith.constant 0 : i32
      scf.yield %scan3A_75 : i32
    }
    %scan3A_19 = arith.constant 8 : i32
    %barrier3A = arith.constant 0 : index
    tpu.barrier barrier_id(%barrier3A)
    %dma_start3A = arith.constant 0 : i32
    %dma_start3A_20 = arith.constant 0 : i32
    %dma_start3A_21 = arith.constant 0 : i32
    %dma_start3A_22 = tpu.memref_slice %arg7[%dma_start3A_20, %dma_start3A_21] : memref<256x256xf32, #tpu.memory_space<vmem>> -> memref<128x256xf32, #tpu.memory_space<vmem>>
    %dma_start3A_23 = arith.constant 0 : i32
    %dma_start3A_24 = tpu.memref_slice %arg6[%dma_start3A, %dma_start3A_23] : memref<2x128xi32, #tpu.memory_space<vmem>> -> memref<1x128xi32, #tpu.memory_space<vmem>>
    %dma_start3A_25 = tpu.memref_squeeze %dma_start3A_24 : memref<1x128xi32, #tpu.memory_space<vmem>> -> memref<128xi32, #tpu.memory_space<vmem>>
    %dma_start3A_26 = arith.constant 0 : i32
    %dma_start3A_27 = arith.constant 0 : i32
    %dma_start3A_28 = tpu.memref_slice %arg2[%dma_start3A_26, %dma_start3A_27] : memref<8192x256xf32, #tpu.memory_space<hbm>> -> memref<8192x256xf32, #tpu.memory_space<hbm>>
    tpu.enqueue_indirect_dma source(%dma_start3A_28 : memref<8192x256xf32, #tpu.memory_space<hbm>>) target(%dma_start3A_22 : memref<128x256xf32, #tpu.memory_space<vmem>>) offsets(%dma_start3A_25 : memref<128xi32, #tpu.memory_space<vmem>>) semaphore(%arg11 : memref<!tpu.dma_semaphore, #tpu.memory_space<semaphore_mem>>)
    %dma_wait3A = arith.constant 0 : i32
    %dma_wait3A_29 = arith.constant 0 : i32
    %dma_wait3A_30 = arith.constant 0 : i32
    %dma_wait3A_31 = tpu.memref_slice %arg7[%dma_wait3A_29, %dma_wait3A_30] : memref<256x256xf32, #tpu.memory_space<vmem>> -> memref<128x256xf32, #tpu.memory_space<vmem>>
    %dma_wait3A_32 = arith.constant 0 : i32
    %dma_wait3A_33 = tpu.memref_slice %arg6[%dma_wait3A, %dma_wait3A_32] : memref<2x128xi32, #tpu.memory_space<vmem>> -> memref<1x128xi32, #tpu.memory_space<vmem>>
    %dma_wait3A_34 = tpu.memref_squeeze %dma_wait3A_33 : memref<1x128xi32, #tpu.memory_space<vmem>> -> memref<128xi32, #tpu.memory_space<vmem>>
    %dma_wait3A_35 = arith.constant 0 : i32
    %dma_wait3A_36 = arith.constant 0 : i32
    %dma_wait3A_37 = tpu.memref_slice %arg2[%dma_wait3A_35, %dma_wait3A_36] : memref<8192x256xf32, #tpu.memory_space<hbm>> -> memref<8192x256xf32, #tpu.memory_space<hbm>>
    tpu.wait_indirect_dma semaphore(%arg11 : memref<!tpu.dma_semaphore, #tpu.memory_space<semaphore_mem>>) src(%dma_wait3A_37 : memref<8192x256xf32, #tpu.memory_space<hbm>>) dst(%dma_wait3A_31 : memref<128x256xf32, #tpu.memory_space<vmem>>)
    %run_scoped3A = arith.constant 0 : i32
    "tpu.region"() ({
      %run_scoped3A_67 = tpu.sem_alloc : memref<!tpu.dma_semaphore, #tpu.memory_space<semaphore_mem>>
      %dma_start3A_68 = arith.constant 0 : i32
      %dma_start3A_69 = tpu.memref_slice %arg6[%run_scoped3A, %dma_start3A_68] : memref<2x128xi32, #tpu.memory_space<vmem>> -> memref<1x128xi32, #tpu.memory_space<vmem>>
      %dma_start3A_70 = tpu.memref_squeeze %dma_start3A_69 : memref<1x128xi32, #tpu.memory_space<vmem>> -> memref<128xi32, #tpu.memory_space<vmem>>
      %dma_start3A_71 = arith.constant 0 : i32
      %dma_start3A_72 = tpu.memref_slice %arg10[%dma_start3A_71] : memref<8192xf32, #tpu.memory_space<vmem_shared>> -> memref<8192xf32, #tpu.memory_space<vmem_shared>>
      tpu.enqueue_indirect_dma source(%arg8 : memref<128xf32, #tpu.memory_space<vmem>>) target(%dma_start3A_72 : memref<8192xf32, #tpu.memory_space<vmem_shared>>) offsets(%dma_start3A_70 : memref<128xi32, #tpu.memory_space<vmem>>) semaphore(%run_scoped3A_67 : memref<!tpu.dma_semaphore, #tpu.memory_space<semaphore_mem>>) {add = true}
      %dma_wait3A_73 = arith.constant 0 : i32
      %dma_wait3A_74 = tpu.memref_slice %arg6[%run_scoped3A, %dma_wait3A_73] : memref<2x128xi32, #tpu.memory_space<vmem>> -> memref<1x128xi32, #tpu.memory_space<vmem>>
      %dma_wait3A_75 = tpu.memref_squeeze %dma_wait3A_74 : memref<1x128xi32, #tpu.memory_space<vmem>> -> memref<128xi32, #tpu.memory_space<vmem>>
      %dma_wait3A_76 = arith.constant 0 : i32
      %dma_wait3A_77 = tpu.memref_slice %arg10[%dma_wait3A_76] : memref<8192xf32, #tpu.memory_space<vmem_shared>> -> memref<8192xf32, #tpu.memory_space<vmem_shared>>
      tpu.wait_indirect_dma semaphore(%run_scoped3A_67 : memref<!tpu.dma_semaphore, #tpu.memory_space<semaphore_mem>>) src(%arg8 : memref<128xf32, #tpu.memory_space<vmem>>) dst(%dma_wait3A_77 : memref<8192xf32, #tpu.memory_space<vmem_shared>>)
      tpu.yield
    }) : () -> ()
    %dma_start3A_38 = arith.constant 1 : i32
    %dma_start3A_39 = arith.constant 128 : i32
    %dma_start3A_40 = arith.constant 0 : i32
    %dma_start3A_41 = tpu.memref_slice %arg7[%dma_start3A_39, %dma_start3A_40] : memref<256x256xf32, #tpu.memory_space<vmem>> -> memref<128x256xf32, #tpu.memory_space<vmem>>
    %dma_start3A_42 = arith.constant 0 : i32
    %dma_start3A_43 = tpu.memref_slice %arg6[%dma_start3A_38, %dma_start3A_42] : memref<2x128xi32, #tpu.memory_space<vmem>> -> memref<1x128xi32, #tpu.memory_space<vmem>>
    %dma_start3A_44 = tpu.memref_squeeze %dma_start3A_43 : memref<1x128xi32, #tpu.memory_space<vmem>> -> memref<128xi32, #tpu.memory_space<vmem>>
    %dma_start3A_45 = arith.constant 0 : i32
    %dma_start3A_46 = arith.constant 0 : i32
    %dma_start3A_47 = tpu.memref_slice %arg2[%dma_start3A_45, %dma_start3A_46] : memref<8192x256xf32, #tpu.memory_space<hbm>> -> memref<8192x256xf32, #tpu.memory_space<hbm>>
    tpu.enqueue_indirect_dma source(%dma_start3A_47 : memref<8192x256xf32, #tpu.memory_space<hbm>>) target(%dma_start3A_41 : memref<128x256xf32, #tpu.memory_space<vmem>>) offsets(%dma_start3A_44 : memref<128xi32, #tpu.memory_space<vmem>>) semaphore(%arg11 : memref<!tpu.dma_semaphore, #tpu.memory_space<semaphore_mem>>)
    %dma_wait3A_48 = arith.constant 1 : i32
    %dma_wait3A_49 = arith.constant 128 : i32
    %dma_wait3A_50 = arith.constant 0 : i32
    %dma_wait3A_51 = tpu.memref_slice %arg7[%dma_wait3A_49, %dma_wait3A_50] : memref<256x256xf32, #tpu.memory_space<vmem>> -> memref<128x256xf32, #tpu.memory_space<vmem>>
    %dma_wait3A_52 = arith.constant 0 : i32
    %dma_wait3A_53 = tpu.memref_slice %arg6[%dma_wait3A_48, %dma_wait3A_52] : memref<2x128xi32, #tpu.memory_space<vmem>> -> memref<1x128xi32, #tpu.memory_space<vmem>>
    %dma_wait3A_54 = tpu.memref_squeeze %dma_wait3A_53 : memref<1x128xi32, #tpu.memory_space<vmem>> -> memref<128xi32, #tpu.memory_space<vmem>>
    %dma_wait3A_55 = arith.constant 0 : i32
    %dma_wait3A_56 = arith.constant 0 : i32
    %dma_wait3A_57 = tpu.memref_slice %arg2[%dma_wait3A_55, %dma_wait3A_56] : memref<8192x256xf32, #tpu.memory_space<hbm>> -> memref<8192x256xf32, #tpu.memory_space<hbm>>
    tpu.wait_indirect_dma semaphore(%arg11 : memref<!tpu.dma_semaphore, #tpu.memory_space<semaphore_mem>>) src(%dma_wait3A_57 : memref<8192x256xf32, #tpu.memory_space<hbm>>) dst(%dma_wait3A_51 : memref<128x256xf32, #tpu.memory_space<vmem>>)
    %run_scoped3A_58 = arith.constant 1 : i32
    "tpu.region"() ({
      %run_scoped3A_67 = tpu.sem_alloc : memref<!tpu.dma_semaphore, #tpu.memory_space<semaphore_mem>>
      %dma_start3A_68 = arith.constant 0 : i32
      %dma_start3A_69 = tpu.memref_slice %arg6[%run_scoped3A_58, %dma_start3A_68] : memref<2x128xi32, #tpu.memory_space<vmem>> -> memref<1x128xi32, #tpu.memory_space<vmem>>
      %dma_start3A_70 = tpu.memref_squeeze %dma_start3A_69 : memref<1x128xi32, #tpu.memory_space<vmem>> -> memref<128xi32, #tpu.memory_space<vmem>>
      %dma_start3A_71 = arith.constant 0 : i32
      %dma_start3A_72 = tpu.memref_slice %arg10[%dma_start3A_71] : memref<8192xf32, #tpu.memory_space<vmem_shared>> -> memref<8192xf32, #tpu.memory_space<vmem_shared>>
      tpu.enqueue_indirect_dma source(%arg8 : memref<128xf32, #tpu.memory_space<vmem>>) target(%dma_start3A_72 : memref<8192xf32, #tpu.memory_space<vmem_shared>>) offsets(%dma_start3A_70 : memref<128xi32, #tpu.memory_space<vmem>>) semaphore(%run_scoped3A_67 : memref<!tpu.dma_semaphore, #tpu.memory_space<semaphore_mem>>) {add = true}
      %dma_wait3A_73 = arith.constant 0 : i32
      %dma_wait3A_74 = tpu.memref_slice %arg6[%run_scoped3A_58, %dma_wait3A_73] : memref<2x128xi32, #tpu.memory_space<vmem>> -> memref<1x128xi32, #tpu.memory_space<vmem>>
      %dma_wait3A_75 = tpu.memref_squeeze %dma_wait3A_74 : memref<1x128xi32, #tpu.memory_space<vmem>> -> memref<128xi32, #tpu.memory_space<vmem>>
      %dma_wait3A_76 = arith.constant 0 : i32
      %dma_wait3A_77 = tpu.memref_slice %arg10[%dma_wait3A_76] : memref<8192xf32, #tpu.memory_space<vmem_shared>> -> memref<8192xf32, #tpu.memory_space<vmem_shared>>
      tpu.wait_indirect_dma semaphore(%run_scoped3A_67 : memref<!tpu.dma_semaphore, #tpu.memory_space<semaphore_mem>>) src(%arg8 : memref<128xf32, #tpu.memory_space<vmem>>) dst(%dma_wait3A_77 : memref<8192xf32, #tpu.memory_space<vmem_shared>>)
      tpu.yield
    }) : () -> ()
    "tpu.region"() ({
      %run_scoped3A_67 = tpu.sem_alloc : memref<!tpu.dma_semaphore, #tpu.memory_space<semaphore_mem>>
      %dma_start3A_68 = arith.constant 0 : i32
      %dma_start3A_69 = tpu.memref_slice %arg4[%mul3A_2, %dma_start3A_68] : memref<8192x256xf32, #tpu.memory_space<hbm>> -> memref<256x256xf32, #tpu.memory_space<hbm>>
      %dma_start3A_70 = arith.constant 0 : i32
      %dma_start3A_71 = tpu.memref_slice %arg4[%mul3A_2, %dma_start3A_70] : memref<8192x256xf32, #tpu.memory_space<hbm>> -> memref<256x256xf32, #tpu.memory_space<hbm>>
      tpu.enqueue_dma source(%arg7 : memref<256x256xf32, #tpu.memory_space<vmem>>) target(%dma_start3A_71 : memref<256x256xf32, #tpu.memory_space<hbm>>) target_semaphore(%run_scoped3A_67 : memref<!tpu.dma_semaphore, #tpu.memory_space<semaphore_mem>>)
      %dma_wait3A_72 = arith.constant 0 : i32
      %dma_wait3A_73 = tpu.memref_slice %arg4[%mul3A_2, %dma_wait3A_72] : memref<8192x256xf32, #tpu.memory_space<hbm>> -> memref<256x256xf32, #tpu.memory_space<hbm>>
      %dma_wait3A_74 = arith.constant 0 : i32
      %dma_wait3A_75 = tpu.memref_slice %arg4[%mul3A_2, %dma_wait3A_74] : memref<8192x256xf32, #tpu.memory_space<hbm>> -> memref<256x256xf32, #tpu.memory_space<hbm>>
      tpu.wait_dma2 semaphore(%run_scoped3A_67 : memref<!tpu.dma_semaphore, #tpu.memory_space<semaphore_mem>>) src(%arg7 : memref<256x256xf32, #tpu.memory_space<vmem>>) dst(%dma_wait3A_75 : memref<256x256xf32, #tpu.memory_space<hbm>>)
      tpu.yield
    }) : () -> ()
    %barrier3A_59 = arith.constant 0 : index
    tpu.barrier barrier_id(%barrier3A_59)
    %mul3A_60 = arith.constant 512 : i32
    %mul3A_61 = arith.muli %arg1, %mul3A_60 : i32
    "tpu.region"() ({
      %run_scoped3A_67 = tpu.sem_alloc : memref<!tpu.dma_semaphore, #tpu.memory_space<semaphore_mem>>
      %dma_start3A_68 = tpu.memref_slice %arg10[%mul3A_61] : memref<8192xf32, #tpu.memory_space<vmem_shared>> -> memref<512xf32, #tpu.memory_space<vmem_shared>>
      %dma_start3A_69 = tpu.memref_slice %arg10[%mul3A_61] : memref<8192xf32, #tpu.memory_space<vmem_shared>> -> memref<512xf32, #tpu.memory_space<vmem_shared>>
      tpu.enqueue_dma source(%dma_start3A_69 : memref<512xf32, #tpu.memory_space<vmem_shared>>) target(%arg9 : memref<512xf32, #tpu.memory_space<vmem>>) target_semaphore(%run_scoped3A_67 : memref<!tpu.dma_semaphore, #tpu.memory_space<semaphore_mem>>)
      %dma_wait3A_70 = tpu.memref_slice %arg10[%mul3A_61] : memref<8192xf32, #tpu.memory_space<vmem_shared>> -> memref<512xf32, #tpu.memory_space<vmem_shared>>
      %dma_wait3A_71 = tpu.memref_slice %arg10[%mul3A_61] : memref<8192xf32, #tpu.memory_space<vmem_shared>> -> memref<512xf32, #tpu.memory_space<vmem_shared>>
      tpu.wait_dma2 semaphore(%run_scoped3A_67 : memref<!tpu.dma_semaphore, #tpu.memory_space<semaphore_mem>>) src(%dma_wait3A_71 : memref<512xf32, #tpu.memory_space<vmem_shared>>) dst(%arg9 : memref<512xf32, #tpu.memory_space<vmem>>)
      tpu.yield
    }) : () -> ()
    %mul3A_62 = arith.constant 8192 : i32
    %mul3A_63 = arith.muli %arg0, %mul3A_62 : i32
    %mul3A_64 = arith.constant 512 : i32
    %mul3A_65 = arith.muli %arg1, %mul3A_64 : i32
    %add3A_66 = arith.addi %mul3A_63, %mul3A_65 : i32
    "tpu.region"() ({
      %run_scoped3A_67 = tpu.sem_alloc : memref<!tpu.dma_semaphore, #tpu.memory_space<semaphore_mem>>
      %dma_start3A_68 = tpu.memref_slice %arg5[%add3A_66] : memref<16384xf32, #tpu.memory_space<hbm>> -> memref<512xf32, #tpu.memory_space<hbm>>
      %dma_start3A_69 = tpu.memref_slice %arg5[%add3A_66] : memref<16384xf32, #tpu.memory_space<hbm>> -> memref<512xf32, #tpu.memory_space<hbm>>
      tpu.enqueue_dma source(%arg9 : memref<512xf32, #tpu.memory_space<vmem>>) target(%dma_start3A_69 : memref<512xf32, #tpu.memory_space<hbm>>) target_semaphore(%run_scoped3A_67 : memref<!tpu.dma_semaphore, #tpu.memory_space<semaphore_mem>>)
      %dma_wait3A_70 = tpu.memref_slice %arg5[%add3A_66] : memref<16384xf32, #tpu.memory_space<hbm>> -> memref<512xf32, #tpu.memory_space<hbm>>
      %dma_wait3A_71 = tpu.memref_slice %arg5[%add3A_66] : memref<16384xf32, #tpu.memory_space<hbm>> -> memref<512xf32, #tpu.memory_space<hbm>>
      tpu.wait_dma2 semaphore(%run_scoped3A_67 : memref<!tpu.dma_semaphore, #tpu.memory_space<semaphore_mem>>) src(%arg9 : memref<512xf32, #tpu.memory_space<vmem>>) dst(%dma_wait3A_71 : memref<512xf32, #tpu.memory_space<hbm>>)
      tpu.yield
    }) : () -> ()
    return
  }
}

module attributes {stable_mosaic.version = 14 : i64} {
  func.func @_finalize_kernel(%arg0: memref<2x8192xf32, #tpu.memory_space<vmem>>, %arg1: memref<1x8192xf32, #tpu.memory_space<vmem>>, %arg2: memref<1x1xf32, #tpu.memory_space<smem>>) attributes {dimension_semantics = [], scalar_prefetch = 0 : i64, scratch_operands = 0 : i64, tpu.core_type = #tpu.core_type<tc>} {
    %get3A = arith.constant 0 : index
    %get3A_0 = arith.constant 0 : index
    %get3A_1 = vector.load %arg0[%get3A, %get3A_0] : memref<2x8192xf32, #tpu.memory_space<vmem>>, vector<2x8192xf32>
    %reduce_sum3A = arith.constant dense<0.000000e+00> : vector<8192xf32>
    %reduce_sum3A_2 = vector.multi_reduction <add>, %get3A_1, %reduce_sum3A [0] : vector<2x8192xf32> to vector<8192xf32>
    %broadcast_in_dim3A = vector.shape_cast %reduce_sum3A_2 : vector<8192xf32> to vector<1x8192xf32>
    %swap3A = arith.constant 0 : index
    %swap3A_3 = arith.constant 0 : index
    %swap3A_4 = vector.load %arg1[%swap3A, %swap3A_3] : memref<1x8192xf32, #tpu.memory_space<vmem>>, vector<1x8192xf32>
    tpu.vector_store %arg1[%swap3A, %swap3A_3], %broadcast_in_dim3A {strides = array<i32>} : memref<1x8192xf32, #tpu.memory_space<vmem>>, vector<1x8192xf32>,
    %mul3A = arith.constant 1.22070313E-4 : f32
    %mul3A_5 = vector.broadcast %mul3A : f32 to vector<1x8192xf32>
    %mul3A_6 = arith.mulf %broadcast_in_dim3A, %mul3A_5 : vector<1x8192xf32>
    %add3A = arith.constant 1.000000e-10 : f32
    %add3A_7 = vector.broadcast %add3A : f32 to vector<1x8192xf32>
    %add3A_8 = arith.addf %mul3A_6, %add3A_7 : vector<1x8192xf32>
    %log3A = math.log %add3A_8 : vector<1x8192xf32>
    %mul3A_9 = arith.mulf %mul3A_6, %log3A : vector<1x8192xf32>
    %reduce_sum3A_10 = vector.shape_cast %mul3A_9 : vector<1x8192xf32> to vector<1x1x8192xf32>
    %reduce_sum3A_11 = arith.constant dense<0.000000e+00> : vector<1xf32>
    %reduce_sum3A_12 = vector.multi_reduction <add>, %reduce_sum3A_10, %reduce_sum3A_11 [1, 2] : vector<1x1x8192xf32> to vector<1xf32>
    %reduce_sum3A_13 = vector.shape_cast %reduce_sum3A_12 : vector<1xf32> to vector<1x1x1xf32>
    %reduce_sum3A_14 = vector.extract %reduce_sum3A_13[0, 0, 0] : f32 from vector<1x1x1xf32>
    %neg3A = arith.constant 0.000000e+00 : f32
    %neg3A_15 = arith.subf %neg3A, %reduce_sum3A_14 : f32
    %exp3A = math.exp %neg3A_15 : f32
    %swap3A_16 = arith.constant 0 : index
    %swap3A_17 = arith.constant 0 : index
    %swap3A_18 = memref.load %arg2[%swap3A_16, %swap3A_17] : memref<1x1xf32, #tpu.memory_space<smem>>
    memref.store %exp3A, %arg2[%swap3A_16, %swap3A_17] : memref<1x1xf32, #tpu.memory_space<smem>>
    return
  }
}

module attributes {stable_mosaic.version = 14 : i64} {
  func.func @_argmin_kernel(%arg0: i32, %arg1: i32, %arg2: memref<1024x256xf32, #tpu.memory_space<vmem>>, %arg3: memref<8192x256xf32, #tpu.memory_space<vmem>>, %arg4: memref<1x1x1024xi32, #tpu.memory_space<vmem>>, %arg5: memref<1x1xf32, #tpu.memory_space<smem>>, %arg6: memref<1x1024xf32, #tpu.memory_space<vmem>>, %arg7: memref<1x1024xf32, #tpu.memory_space<vmem>>, %arg8: memref<1x1024xi32, #tpu.memory_space<vmem>>) attributes {dimension_semantics = [#tpu.dimension_semantics<arbitrary>, #tpu.dimension_semantics<arbitrary>], iteration_bounds = array<i64: 8, 16>, scalar_prefetch = 0 : i64, scratch_operands = 3 : i64, tpu.core_type = #tpu.core_type<tc>, window_params = [{transform_indices = @transform_0, window_bounds = array<i64: 1024, 256>}, {pipeline_mode = #tpu.pipeline_mode<synchronous>, transform_indices = @transform_1, window_bounds = array<i64: 8192, 256>}, {transform_indices = @transform_2, window_bounds = array<i64: 1, 1, 1024>}, {transform_indices = @transform_3, window_bounds = array<i64: 1, 1>}]} {
    %get3A = arith.constant 0 : index
    %get3A_0 = arith.constant 0 : index
    %get3A_1 = vector.load %arg2[%get3A, %get3A_0] : memref<1024x256xf32, #tpu.memory_space<vmem>>, vector<1024x256xf32>
    %eq3A = arith.constant 0 : i32
    %eq3A_2 = arith.cmpi eq, %arg1, %eq3A : i32
    %convert_element_type3A = arith.extui %eq3A_2 : i1 to i32
    %cond3A = arith.constant 0 : i32
    %cond3A_3 = arith.cmpi ne, %convert_element_type3A, %cond3A : i32
    scf.if %cond3A_3 {
      %get3A_50 = arith.constant 0 : index
      %get3A_51 = arith.constant 0 : index
      %get3A_52 = vector.load %arg2[%get3A_50, %get3A_51] : memref<1024x256xf32, #tpu.memory_space<vmem>>, vector<1024x256xf32>
      %mul3A_53 = arith.mulf %get3A_52, %get3A_52 : vector<1024x256xf32>
      %reduce_sum3A_54 = arith.constant dense<0.000000e+00> : vector<1024xf32>
      %reduce_sum3A_55 = vector.multi_reduction <add>, %mul3A_53, %reduce_sum3A_54 [1] : vector<1024x256xf32> to vector<1024xf32>
      %reshape3A = vector.shape_cast %reduce_sum3A_55 : vector<1024xf32> to vector<1x1024xf32>
      %swap3A_56 = arith.constant 0 : index
      %swap3A_57 = arith.constant 0 : index
      %swap3A_58 = vector.load %arg6[%swap3A_56, %swap3A_57] : memref<1x1024xf32, #tpu.memory_space<vmem>>, vector<1x1024xf32>
      tpu.vector_store %arg6[%swap3A_56, %swap3A_57], %reshape3A {strides = array<i32>} : memref<1x1024xf32, #tpu.memory_space<vmem>>, vector<1x1024xf32>,
      %broadcast_in_dim3A_59 = arith.constant 0x7F800000 : f32
      %broadcast_in_dim3A_60 = vector.broadcast %broadcast_in_dim3A_59 : f32 to vector<1x1024xf32>
      %swap3A_61 = arith.constant 0 : index
      %swap3A_62 = arith.constant 0 : index
      %swap3A_63 = vector.load %arg7[%swap3A_61, %swap3A_62] : memref<1x1024xf32, #tpu.memory_space<vmem>>, vector<1x1024xf32>
      tpu.vector_store %arg7[%swap3A_61, %swap3A_62], %broadcast_in_dim3A_60 {strides = array<i32>} : memref<1x1024xf32, #tpu.memory_space<vmem>>, vector<1x1024xf32>,
      %broadcast_in_dim3A_64 = arith.constant 0 : i32
      %broadcast_in_dim3A_65 = vector.broadcast %broadcast_in_dim3A_64 : i32 to vector<1x1024xi32>
      %swap3A_66 = arith.constant 0 : index
      %swap3A_67 = arith.constant 0 : index
      %swap3A_68 = vector.load %arg8[%swap3A_66, %swap3A_67] : memref<1x1024xi32, #tpu.memory_space<vmem>>, vector<1x1024xi32>
      tpu.vector_store %arg8[%swap3A_66, %swap3A_67], %broadcast_in_dim3A_65 {strides = array<i32>} : memref<1x1024xi32, #tpu.memory_space<vmem>>, vector<1x1024xi32>,
    } else {
    }
    %mul3A = arith.constant 512 : i32
    %mul3A_4 = arith.muli %arg1, %mul3A : i32
    %get3A_5 = arith.index_cast %mul3A_4 : i32 to index
    %get3A_6 = arith.constant 0 : index
    %get3A_7 = vector.load %arg3[%get3A_5, %get3A_6] : memref<8192x256xf32, #tpu.memory_space<vmem>>, vector<512x256xf32>
    %add3A = arith.addf %get3A_1, %get3A_1 : vector<1024x256xf32>
    %dot_general3A = arith.constant dense<0.000000e+00> : vector<512x1024xf32>
    %dot_general3A_8 = tpu.matmul %get3A_7, %add3A, %dot_general3A {dimension_numbers = #tpu.dot_dimension_numbers<[1], [1], [0], [0], [0, 0, 1, 0], [], []>, transpose_lhs_hint = false} : vector<512x256xf32>, vector<1024x256xf32>, vector<512x1024xf32> -> vector<512x1024xf32>
    %mul3A_9 = arith.mulf %get3A_7, %get3A_7 : vector<512x256xf32>
    %reduce_sum3A = arith.constant dense<0.000000e+00> : vector<512xf32>
    %reduce_sum3A_10 = vector.multi_reduction <add>, %mul3A_9, %reduce_sum3A [1] : vector<512x256xf32> to vector<512xf32>
    %broadcast_in_dim3A = vector.shape_cast %reduce_sum3A_10 : vector<512xf32> to vector<512x1xf32>
    %get3A_11 = arith.constant 0 : index
    %get3A_12 = arith.constant 0 : index
    %get3A_13 = vector.load %arg6[%get3A_11, %get3A_12] : memref<1x1024xf32, #tpu.memory_space<vmem>>, vector<1x1024xf32>
    %sub3A = vector.broadcast %get3A_13 : vector<1x1024xf32> to vector<512x1024xf32>
    %sub3A_14 = arith.subf %sub3A, %dot_general3A_8 : vector<512x1024xf32>
    %add3A_15 = vector.broadcast %broadcast_in_dim3A : vector<512x1xf32> to vector<512x1024xf32>
    %add3A_16 = arith.addf %sub3A_14, %add3A_15 : vector<512x1024xf32>
    %reduce_min3A = arith.constant dense<0x7F800000> : vector<1024xf32>
    %reduce_min3A_17 = vector.multi_reduction <minimumf>, %add3A_16, %reduce_min3A [0] : vector<512x1024xf32> to vector<1024xf32>
    %broadcast_in_dim3A_18 = vector.shape_cast %reduce_min3A_17 : vector<1024xf32> to vector<1x1024xf32>
    %iota3A = tpu.iota {dimensions = array<i32: 0>} : vector<512x1024xi32>
    %mul3A_19 = arith.constant 512 : i32
    %mul3A_20 = arith.muli %arg1, %mul3A_19 : i32
    %add3A_21 = vector.broadcast %mul3A_20 : i32 to vector<512x1024xi32>
    %add3A_22 = arith.addi %iota3A, %add3A_21 : vector<512x1024xi32>
    %eq3A_23 = vector.broadcast %broadcast_in_dim3A_18 : vector<1x1024xf32> to vector<512x1024xf32>
    %eq3A_24 = arith.cmpf oeq, %add3A_16, %eq3A_23 : vector<512x1024xf32>
    %jit3A = arith.constant 1073741824 : i32
    %broadcast_in_dim3A_25 = vector.broadcast %jit3A : i32 to vector<512x1024xi32>
    %select_n3A = arith.select %eq3A_24, %add3A_22, %broadcast_in_dim3A_25 : vector<512x1024xi1>, vector<512x1024xi32>
    %reduce_min3A_26 = arith.constant dense<2147483647> : vector<1024xi32>
    %reduce_min3A_27 = vector.multi_reduction <minsi>, %select_n3A, %reduce_min3A_26 [0] : vector<512x1024xi32> to vector<1024xi32>
    %broadcast_in_dim3A_28 = vector.shape_cast %reduce_min3A_27 : vector<1024xi32> to vector<1x1024xi32>
    %get3A_29 = arith.constant 0 : index
    %get3A_30 = arith.constant 0 : index
    %get3A_31 = vector.load %arg7[%get3A_29, %get3A_30] : memref<1x1024xf32, #tpu.memory_space<vmem>>, vector<1x1024xf32>
    %lt3A = arith.cmpf olt, %broadcast_in_dim3A_18, %get3A_31 : vector<1x1024xf32>
    %get3A_32 = arith.constant 0 : index
    %get3A_33 = arith.constant 0 : index
    %get3A_34 = vector.load %arg8[%get3A_32, %get3A_33] : memref<1x1024xi32, #tpu.memory_space<vmem>>, vector<1x1024xi32>
    %select_n3A_35 = arith.select %lt3A, %broadcast_in_dim3A_28, %get3A_34 : vector<1x1024xi1>, vector<1x1024xi32>
    %swap3A = arith.constant 0 : index
    %swap3A_36 = arith.constant 0 : index
    %swap3A_37 = vector.load %arg8[%swap3A, %swap3A_36] : memref<1x1024xi32, #tpu.memory_space<vmem>>, vector<1x1024xi32>
    tpu.vector_store %arg8[%swap3A, %swap3A_36], %select_n3A_35 {strides = array<i32>} : memref<1x1024xi32, #tpu.memory_space<vmem>>, vector<1x1024xi32>,
    %get3A_38 = arith.constant 0 : index
    %get3A_39 = arith.constant 0 : index
    %get3A_40 = vector.load %arg7[%get3A_38, %get3A_39] : memref<1x1024xf32, #tpu.memory_space<vmem>>, vector<1x1024xf32>
    %select_n3A_41 = arith.select %lt3A, %broadcast_in_dim3A_18, %get3A_40 : vector<1x1024xi1>, vector<1x1024xf32>
    %swap3A_42 = arith.constant 0 : index
    %swap3A_43 = arith.constant 0 : index
    %swap3A_44 = vector.load %arg7[%swap3A_42, %swap3A_43] : memref<1x1024xf32, #tpu.memory_space<vmem>>, vector<1x1024xf32>
    tpu.vector_store %arg7[%swap3A_42, %swap3A_43], %select_n3A_41 {strides = array<i32>} : memref<1x1024xf32, #tpu.memory_space<vmem>>, vector<1x1024xf32>,
    %eq3A_45 = arith.constant 15 : i32
    %eq3A_46 = arith.cmpi eq, %arg1, %eq3A_45 : i32
    %convert_element_type3A_47 = arith.extui %eq3A_46 : i1 to i32
    %cond3A_48 = arith.constant 0 : i32
    %cond3A_49 = arith.cmpi ne, %convert_element_type3A_47, %cond3A_48 : i32
    scf.if %cond3A_49 {
      %get3A_50 = arith.constant 0 : index
      %get3A_51 = arith.constant 0 : index
      %get3A_52 = vector.load %arg8[%get3A_50, %get3A_51] : memref<1x1024xi32, #tpu.memory_space<vmem>>, vector<1x1024xi32>
      %reshape3A = vector.shape_cast %get3A_52 : vector<1x1024xi32> to vector<1x1x1024xi32>
      %swap3A_53 = arith.constant 0 : index
      %swap3A_54 = arith.constant 0 : index
      %swap3A_55 = arith.constant 0 : index
      %swap3A_56 = vector.load %arg4[%swap3A_53, %swap3A_54, %swap3A_55] : memref<1x1x1024xi32, #tpu.memory_space<vmem>>, vector<1x1x1024xi32>
      tpu.vector_store %arg4[%swap3A_53, %swap3A_54, %swap3A_55], %reshape3A {strides = array<i32>} : memref<1x1x1024xi32, #tpu.memory_space<vmem>>, vector<1x1x1024xi32>,
      %get3A_57 = arith.constant 0 : index
      %get3A_58 = arith.constant 0 : index
      %get3A_59 = vector.load %arg7[%get3A_57, %get3A_58] : memref<1x1024xf32, #tpu.memory_space<vmem>>, vector<1x1024xf32>
      %reduce_sum3A_60 = vector.shape_cast %get3A_59 : vector<1x1024xf32> to vector<1x1x1024xf32>
      %reduce_sum3A_61 = arith.constant dense<0.000000e+00> : vector<1xf32>
      %reduce_sum3A_62 = vector.multi_reduction <add>, %reduce_sum3A_60, %reduce_sum3A_61 [1, 2] : vector<1x1x1024xf32> to vector<1xf32>
      %reduce_sum3A_63 = vector.shape_cast %reduce_sum3A_62 : vector<1xf32> to vector<1x1x1xf32>
      %reduce_sum3A_64 = vector.extract %reduce_sum3A_63[0, 0, 0] : f32 from vector<1x1x1xf32>
      %eq3A_65 = arith.constant 0 : i32
      %eq3A_66 = arith.cmpi eq, %arg0, %eq3A_65 : i32
      %convert_element_type3A_67 = arith.extui %eq3A_66 : i1 to i32
      %cond3A_68 = arith.constant 0 : i32
      %cond3A_69 = arith.cmpi ne, %convert_element_type3A_67, %cond3A_68 : i32
      scf.if %cond3A_69 {
        %swap3A_77 = arith.constant 0.000000e+00 : f32
        %swap3A_78 = arith.constant 0 : index
        %swap3A_79 = arith.constant 0 : index
        %swap3A_80 = memref.load %arg5[%swap3A_78, %swap3A_79] : memref<1x1xf32, #tpu.memory_space<smem>>
        memref.store %swap3A_77, %arg5[%swap3A_78, %swap3A_79] : memref<1x1xf32, #tpu.memory_space<smem>>
      } else {
      }
      %get3A_70 = arith.constant 0 : index
      %get3A_71 = arith.constant 0 : index
      %get3A_72 = memref.load %arg5[%get3A_70, %get3A_71] : memref<1x1xf32, #tpu.memory_space<smem>>
      %add3A_73 = arith.addf %get3A_72, %reduce_sum3A_64 : f32
      %swap3A_74 = arith.constant 0 : index
      %swap3A_75 = arith.constant 0 : index
      %swap3A_76 = memref.load %arg5[%swap3A_74, %swap3A_75] : memref<1x1xf32, #tpu.memory_space<smem>>
      memref.store %add3A_73, %arg5[%swap3A_74, %swap3A_75] : memref<1x1xf32, #tpu.memory_space<smem>>
    } else {
    }
    return
  }
  func.func @transform_0(%arg0: i32, %arg1: i32) -> (i32, i32) {
    %c0_i32 = arith.constant 0 : i32
    %c0_i32_0 = arith.constant 0 : i32
    return %arg0, %c0_i32 : i32, i32
  }
  func.func @transform_1(%arg0: i32, %arg1: i32) -> (i32, i32) {
    %c0_i32 = arith.constant 0 : i32
    %c0_i32_0 = arith.constant 0 : i32
    %c0_i32_1 = arith.constant 0 : i32
    return %c0_i32, %c0_i32_0 : i32, i32
  }
  func.func @transform_2(%arg0: i32, %arg1: i32) -> (i32, i32, i32) {
    %c0_i32 = arith.constant 0 : i32
    %c0_i32_0 = arith.constant 0 : i32
    %c0_i32_1 = arith.constant 0 : i32
    return %arg0, %c0_i32, %c0_i32_0 : i32, i32, i32
  }
  func.func @transform_3(%arg0: i32, %arg1: i32) -> (i32, i32) {
    %c0_i32 = arith.constant 0 : i32
    %c0_i32_0 = arith.constant 0 : i32
    %c0_i32_1 = arith.constant 0 : i32
    return %c0_i32, %c0_i32_0 : i32, i32
  }
}

</mosaic_0001>

<sc_bundles>
// kernel: kernel.5.cloned.1.call-start
scs
__scs_entry_jumppad:
0x0: {  	(pc) =	sbr.rel $0x88, $3  }
0x1: {  	(tag) =	ssettag $0x0;
	lr =	simm.s32 $0x1  }
0x2: {  	[smem:$0x3F9F] =	sst lr;
	_ =	strace $0xD0000000  }
0x3: {  	_ = 	snop  }
0x4: {  	_ = 	snop  }
0x5: {  	_ = 	snop  }
0x6: {  	_ = 	snop  }
0x7: {  	_ = 	snop  }
__scs_overlays_trampoline_lowered:
0x8: {  	[smem:$0x3FAE] =	sst s0  }
0x9: {  	[smem:$0x3FAF] =	sst s1  }
0xa: {  	[smem:$0x3FB0] =	sst s2  }
0xb: {  	[smem:$0x3FB1] =	sst s3  }
0xc: {  	[smem:$0x3FB2] =	sst s4  }
0xd: {  	[smem:$0x3FB3] =	sst s5  }
0xe: {  	[smem:$0x3FB4] =	sst s6  }
0xf: {  	[smem:$0x3FB5] =	sst s7  }
0x10: {  	[smem:$0x3FB6] =	sst s8  }
0x11: {  	[smem:$0x3FB7] =	sst s9;
	s0 =	simm.s32 @!p0 $0x0  }
0x12: {  	s1 =	sld [smem:$0x3F9D];
	s0 =	simm.s32 @p0 $0x1  }
0x13: {  	[smem:$0x3FB8] =	sst s0;
	s0 =	simm.s32 @!p1 $0x0  }
0x14: {  	s2 =	sld [smem:$0x3F9C];
	s0 =	simm.s32 @p1 $0x1  }
0x15: {  	[smem:$0x3FB9] =	sst s0;
	s0 =	simm.s32 @!p2 $0x0  }
0x16: {  	s3 =	sld [smem:$0x3FDB];
	s0 =	simm.s32 @p2 $0x1  }
0x17: {  	s4 =	simm.s32 $0x1BF5;
	[smem:$0x3FBB] =	sst s0  }
0x18: {  	s0 =	sld [smem:$0x3F9E];
	_ =	swait.ge [sflag:s4], $0x0  }
0x19: {  	s7 =	sld [smem:$0x3F9F]  }
0x1a: {  	s8 =	sadd.s32 $0xFFFFE003, lr  }
0x1b: {  	s9 =	sadd.s32 $0xFFFFFEF7, lr;
	s5 =	simm.s32 $0xFFFFFFFF;
	p2 =	slt.u32 s8, $0xFFFFF086  }
0x1c: {  	p1 =	slt.u32 s9, $0xF7A;
	s5 =	simm.s32 @!p2 $0x0  }
0x1d: {  	s5 =	simm.s32 @p1 $0x1;
	p0 =	seq.s32 s7, s2  }
0x1e: {  	s7 =	smul.u32 @!p0 $0xF7A, s2;
	p2 =	seq.s32 @!p0 s5, $0x0  }
0x1f: {  	s9 =	smul.u32 $0xF7A, s1;
	s8 =	simm.s32 @!p0 $0x1BF5;
	p2 =	por !p2, p0  }
0x20: {  	[sflag:s8] =	ssyncset.s32 @!p0 $0xFFFFF086;
	s6 =	sadd.s32 @!p0 s3, s7;
	s7 =	simm.s32 @!p0 $0x108  }
0x21: {  	s3 =	sadd.s32 s3, s9;
	s6 =	sadd.s32 @!p0 $0x88, s6;
	s7 =	simm.s32 @p2 $0x1082  }
0x22: {  	[simem:s7], [sflag:s8] =	dma.local @!p0 [hbm:s6], $0xF7A  }
0x23: {  	s9 =	sor.u32 $0xD0000000, s2;
	s6 =	simm.s32 $0x108;
	_ =	swait.ge @!p0 [sflag:s8], $0x0  }
0x24: {  	s3 =	sadd.s32 $0x88, s3;
	s6 =	simm.s32 @!p1 $0x1082;
	[sflag:s4] =	ssyncset.s32 $0xFFFFF086  }
0x25: {  	[simem:s6], [sflag:s4] =	dma.local [hbm:s3], $0xF7A  }
0x26: {  	[smem:$0x3F9F] =	sst s1;
	(tag) =	ssettag s2;
	_ =	strace s9  }
0x27: {  	s1 =	sld [smem:$0x3FAF]  }
0x28: {  	s2 =	sld [smem:$0x3FB0]  }
0x29: {  	s4 =	sld [smem:$0x3FB2]  }
0x2a: {  	p0 =	seq.s32 s5, $0x0;
	s5 =	sld [smem:$0x3FB3]  }
0x2b: {  	s6 =	sld [smem:$0x3FB4]  }
0x2c: {  	s7 =	sld [smem:$0x3FB5]  }
0x2d: {  	s3 =	simm.s32 $0x108;
	s8 =	sld [smem:$0x3FB6]  }
0x2e: {  	s3 =	simm.s32 @!p0 $0x1082;
	s9 =	sld [smem:$0x3FB7]  }
0x2f: {  	lr =	sadd.s32 s0, s3;
	s0 =	sld [smem:$0x3FAE]  }
0x30: {  	s3 =	sld [smem:$0x3FB1]  }
0x31: {  	[smem:$0x3FBA] =	sst s10  }
0x32: {  	s10 =	sld [smem:$0x3FB8];
	_ =	sdelay $0x3  }
0x33: {  	p0 =	seq.s32 s10, $0x1;
	s10 =	sld [smem:$0x3FBA];
	_ =	sdelay $0x3  }
0x34: {  	[smem:$0x3FBA] =	sst s10  }
0x35: {  	s10 =	sld [smem:$0x3FB9];
	_ =	sdelay $0x3  }
0x36: {  	p1 =	seq.s32 s10, $0x1;
	s10 =	sld [smem:$0x3FBA];
	_ =	sdelay $0x3  }
0x37: {  	[smem:$0x3FBA] =	sst s10  }
0x38: {  	s10 =	sld [smem:$0x3FBB]  }
0x39: {  	_ = 	snop;
	(pc) =	sbr.ind lr, $3  }
0x3a: {  	_ = 	snop  }
0x3b: {  	_ = 	snop  }
0x3c: {  	p2 =	seq.s32 s10, $0x1;
	s10 =	sld [smem:$0x3FBA]  }
0x3d: {  	_ =	shalt  }
0x3e: {  	_ =	shalt  }
0x3f: {  	_ =	shalt  }
0x40: {  	_ =	shalt  }
0x41: {  	_ =	shalt  }
0x42: {  	_ =	shalt  }
0x43: {  	_ =	shalt  }
0x44: {  	_ =	shalt  }
0x45: {  	_ =	shalt  }
0x46: {  	_ =	shalt  }
0x47: {  	_ =	shalt  }
0x48: {  	_ =	shalt  }
0x49: {  	_ =	shalt  }
0x4a: {  	_ =	shalt  }
0x4b: {  	_ =	shalt  }
0x4c: {  	_ =	shalt  }
0x4d: {  	_ =	shalt  }
0x4e: {  	_ =	shalt  }
0x4f: {  	_ =	shalt  }
0x50: {  	_ =	shalt  }
0x51: {  	_ =	shalt  }
0x52: {  	_ =	shalt  }
0x53: {  	_ =	shalt  }
0x54: {  	_ =	shalt  }
0x55: {  	_ =	shalt  }
0x56: {  	_ =	shalt  }
0x57: {  	_ =	shalt  }
0x58: {  	_ =	shalt  }
0x59: {  	_ =	shalt  }
0x5a: {  	_ =	shalt  }
0x5b: {  	_ =	shalt  }
0x5c: {  	_ =	shalt  }
0x5d: {  	_ =	shalt  }
0x5e: {  	_ =	shalt  }
0x5f: {  	_ =	shalt  }
0x60: {  	_ =	shalt  }
0x61: {  	_ =	shalt  }
0x62: {  	_ =	shalt  }
0x63: {  	_ =	shalt  }
0x64: {  	_ =	shalt  }
0x65: {  	_ =	shalt  }
0x66: {  	_ =	shalt  }
0x67: {  	_ =	shalt  }
0x68: {  	_ =	shalt  }
0x69: {  	_ =	shalt  }
0x6a: {  	_ =	shalt  }
0x6b: {  	_ =	shalt  }
0x6c: {  	_ =	shalt  }
0x6d: {  	_ =	shalt  }
0x6e: {  	_ =	shalt  }
0x6f: {  	_ =	shalt  }
0x70: {  	_ =	shalt  }
0x71: {  	_ =	shalt  }
0x72: {  	_ =	shalt  }
0x73: {  	_ =	shalt  }
0x74: {  	_ =	shalt  }
0x75: {  	_ =	shalt  }
0x76: {  	_ =	shalt  }
0x77: {  	_ =	shalt  }
0x78: {  	_ =	shalt  }
0x79: {  	_ =	shalt  }
0x7a: {  	_ =	shalt  }
0x7b: {  	_ =	shalt  }
0x7c: {  	_ =	shalt  }
0x7d: {  	_ =	shalt  }
0x7e: {  	_ =	shalt  }
0x7f: {  	_ =	shalt  }
0x80: {  	_ =	shalt  }
0x81: {  	_ =	shalt  }
0x82: {  	_ =	shalt  }
0x83: {  	_ =	shalt  }
0x84: {  	_ =	shalt  }
0x85: {  	_ =	shalt  }
0x86: {  	_ =	shalt  }
0x87: {  	_ =	shalt  }
.Lfunc_end0:
.L_simem_size_0:
called_computation_lowered:
.L_overlay_start_0:
0x88: {  	s2 =	sld [smem:$0x3FD9]  }
0x89: {  	s3 =	sld [smem:$0x3FFE];
	_ =	sdelay $0x1  }
0x8a: {  	s1 =	srdreg.scid  }
0x8b: {  	s0 =	sand.u32 $0x1, s1  }
0x8c: {  	s14 =	sshll.u32 s0, $0xA;
	s2 =	sadd.s32 s3, s2  }
0x8d: {  	s2 =	sadd.s32 s2, s14  }
0x8e: {  	[smem:$0x3FC6] =	sst s2  }
0x8f: {  	_ = 	snop  }
0x90: {  	s2 =	sld [smem:$0x3FD0];
	_ =	sdelay $0x2  }
0x91: {  	s4 =	simm.s32 $0xA;
	s5 =	simm.s32 $0x10;
	s15 =	sld [smem:$0x3FC8]  }
0x92: {  	[smem:s5], [sflag:s4] =	dma.local [hbm:s2], $0x1  }
0x93: {  	_ =	swait.eq [sflag:s4], $0x1  }
0x94: {  	[sflag:s4] =	ssyncset.done $0x0  }
0x95: {  	s16 =	sld [smem:$0x10];
	[sflag:s4] =	ssyncadd.s32 $0xFFFFFFFF  }
0x96: {  	s17 =	sld [smem:$0x11];
	(tm) =	ssettm $0x1  }
0x97: {  	s18 =	sld [smem:$0x3FFB];
	_ =	sdelay $0x3  }
0x98: {  	_ =	strace s18  }
0x99: {  	s5 =	sld [smem:$0x3FFC];
	_ =	sdelay $0x3  }
0x9a: {  	_ =	strace s5  }
0x9b: {  	s5 =	sld [smem:$0x3FFD];
	_ =	sdelay $0x3  }
0x9c: {  	_ =	strace s5  }
0x9d: {  	_ =	strace $0x8FFFFFFF  }
0x9e: {  	s19 =	sld [smem:$0x3FDB];
	_ =	sdelay $0x1  }
0x9f: {  	s6 =	simm.s32 $_scs_section_size  }
0xa0: {  	s7 =	simm.s32 $_size__tile_overlayer_lowered;
	s8 =	simm.s32 $_tile_overlayer_lowered  }
0xa1: {  	s22 =	simm.s32 $0x1BFF;
	s21 =	sshll.u32 s8, $0x1;
	s5 =	sadd.s32 s6, s19  }
0xa2: {  	s9 =	simm.s32 $0x0;
	s20 =	sshll.u32 s7, $0x1;
	s7 =	sadd.s32 s21, s5  }
0xa3: {  	[timem:s9], [sflag:s22] =	dma.local [hbm:s7], s20  }
0xa4: {  	_ =	swait.ge [sflag:s22], s20  }
0xa5: {  	s6 =	ssub.s32 $0x0, s20;
	[sflag:s22] =	ssyncset.done $0x0  }
0xa6: {  	[sflag:s22] =	ssyncadd.s32 s6;
	_ =	sdelay $0x1  }
0xa7: {  	s23 =	simm.s32 $0x1B8B  }
0xa8: {  	_ =	swait.ge [sflag:s23], $0x1  }
0xa9: {  	[sflag:s23] =	ssyncset.done $0x0  }
0xaa: {  	s25 =	simm.s32 $0x1B8E;
	s24 =	sld [smem:$0x3FFE];
	[sflag:s23] =	ssyncadd.s32 $0xFFFFFFFF  }
0xab: {  	s26 =	simm.s32 $execute0_lowered;
	[smem:$0x3FD2] =	sst s25  }
0xac: {  	s7 =	sshll.u32 s26, $0x1;
	_ =	strace $0x80000046;
	[dreg:$0x1] =	wrdreg $0xFFFFFFFF  }
0xad: {  	s28 =	simm.s32 $_size_execute0_lowered;
	s5 =	sadd.s32 s5, s7;
	[dreg:$0x0] =	wrdreg $0x0  }
0xae: {  	s7 =	sshll.u32 s28, $0x1;
	[dreg:$0x2] =	wrdreg s5  }
0xaf: {  	[dreg:$0x3] =	wrdreg s7  }
0xb0: {  	[dreg:$0x4] =	wrdreg $0xC0  }
0xb1: {  	_ =	task [dreg:s9], $0x5FFFF  }
0xb2: {  	[dreg:$0x1] =	wrdreg $0xFFFFFFFF  }
0xb3: {  	[dreg:$0x0] =	wrdreg $0x60  }
0xb4: {  	[dreg:$0x2] =	wrdreg s15  }
0xb5: {  	[dreg:$0x3] =	wrdreg s17  }
0xb6: {  	[dreg:$0x4] =	wrdreg s16  }
0xb7: {  	[dreg:$0x5] =	wrdreg s24  }
0xb8: {  	[dreg:$0x6] =	wrdreg $0x103800  }
0xb9: {  	[dreg:$0x7] =	wrdreg $0x9  }
0xba: {  	_ =	task.clear_ibuf [dreg:s9], $0x8FFFF;
	_ =	strace $0x90000046  }
0xbb: {  	s29 =	simm.s32 $0x9;
	_ =	strace $0x80000048  }
0xbc: {  	_ =	swait.ge [sflag:s29], $0x1  }
0xbd: {  	[sflag:s29] =	ssyncadd.s32 $0xFFFFFFFF  }
0xbe: {  	_ =	strace $0x90000048  }
0xbf: {  	_ =	sfence  }
0xc0: {  	s30 =	sld [smem:$0x0];
	_ =	sdelay $0x2  }
0xc1: {  	s31 =	sshll.u32 s1, $0xD;
	s1 =	sshrl.u32 s1, $0x2  }
0xc2: {  	s3 =	sand.u32 $0x4000, s31;
	s1 =	sadd.s32 s1, s30  }
0xc3: {  	s0 =	sor.u32 s3, s0;
	s1 =	sshll.u32 s1, $0x11  }
0xc4: {  	s0 =	sor.u32 s1, s0  }
0xc5: {  	s0 =	sadd.s32 $0x8F2B, s0  }
0xc6: {  	[sflag:s0] =	ssyncadd.remote.s32 $0x1  }
0xc7: {  	_ =	sfence.sel $0xFFFF  }
0xc8: {  	[dreg:$0x0] =	wrdreg $0xFFFFFFFF;
	(pc) =	sbr.abs _section_cstart, $3  }
0xc9: {  	[dreg:$0x1] =	wrdreg $0xFFFFFFFF  }
0xca: {  	_ =	task.clear_ibuf [dreg:s9], $0x2FFFF;
	_ =	strace $0x9FFFFFFF  }
0xcb: {  	(tm) =	ssettm $0x7FFFFFFF  }
tec
execute0_lowered:
.L_overlay_start_1:
0x0: {  	(tag) =	ssettag $0x1  }
0x1: {  	s1 =	rddreg [dreg:$0x0]  }
0x2: {  	s0 =	rddreg [dreg:$0x1]  }
0x3: {  	s5 =	rddreg [dreg:$0x2]  }
0x4: {  	s6 =	rddreg [dreg:$0x3]  }
0x5: {  	s3 =	rddreg [dreg:$0x4];
	s4 =	simm.s32 $0x0;
	s7 =	srdreg.scid  }
0x6: {  	s2 =	stileid.u32;
	s13 =	simm.s32 $0x900;
	[smem:$0x7FF] =	sst s4  }
0x7: {  	s14 =	simm.s32 $0x1100;
	_ =	strace $0x80000047;
	[dreg:$0x9] =	wrdreg s13  }
0x8: {  	s15 =	simm.s32 $0x1900;
	s16 =	simm.s32 $0x2100;
	[dreg:$0xa] =	wrdreg s14  }
0x9: {  	s17 =	simm.s32 $0x2900;
	s19 =	simm.s32 $0x3100;
	[dreg:$0xb] =	wrdreg s15  }
0xa: {  	s21 =	simm.s32 $0x3900;
	s22 =	simm.s32 $0x4100;
	[dreg:$0xc] =	wrdreg s16  }
0xb: {  	s23 =	simm.s32 $0x4900;
	s24 =	simm.s32 $0x5100;
	[dreg:$0xd] =	wrdreg s17  }
0xc: {  	s25 =	simm.s32 $0x5900;
	s26 =	simm.s32 $0x6100;
	[dreg:$0xe] =	wrdreg s19  }
0xd: {  	s28 =	simm.s32 $0xD900;
	s29 =	simm.s32 $0xE100;
	[dreg:$0xf] =	wrdreg s21  }
0xe: {  	s30 =	simm.s32 $0xE900;
	s31 =	simm.s32 $0xF100;
	[dreg:$0x10] =	wrdreg s22  }
0xf: {  	s7 =	sand.u32 $0x1, s7;
	s8 =	sshll.u32 s2, $0x1;
	[dreg:$0x11] =	wrdreg s23  }
0x10: {  	s9 =	sshll.u32 s2, $0x9;
	s10 =	sshll.u32 s7, $0xD;
	[dreg:$0x12] =	wrdreg s24  }
0x11: {  	s8 =	sor.u32 s7, s8;
	s18 =	ssub.s32 $0x2, s7;
	[dreg:$0x13] =	wrdreg s25  }
0x12: {  	s7 =	simm.s32 $0x2;
	[dreg:$0x14] =	wrdreg s26;
	s13 =	simm.s32 $0x1  }
0x13: {  	s14 =	simm.s32 $0x80;
	s15 =	simm.s32 $0x10100;
	s16 =	simm.s32 $0x8100  }
0x14: {  	s17 =	simm.s32 $0x8900;
	s19 =	simm.s32 $0x9900;
	s21 =	simm.s32 $0xA900  }
0x15: {  	s22 =	simm.s32 $0xB100;
	s23 =	simm.s32 $0xB900;
	s24 =	simm.s32 $0xC100  }
0x16: {  	s25 =	simm.s32 $0xC900;
	s26 =	simm.s32 $0xD100;
	s10 =	sor.u32 s9, s10  }
0x17: {  	s11 =	sshll.u32 s8, $0x5;
	s8 =	sshll.u32 s8, $0xD;
	s20 =	sshrl.u32 s18, $0x1  }
0x18: {  	s10 =	sshrl.u32 s10, $0x3;
	s0 =	sadd.s32 s0, s11;
	s11 =	sadd.s32 s5, s8  }
0x19: {  	s5 =	sadd.s32 s9, s3;
	s8 =	simm.s32 $0x10180;
	[dreg:$0x6] =	wrdreg s0  }
0x1a: {  	s9 =	simm.s32 $0x100;
	s6 =	sadd.s32 s10, s6;
	[dreg:$0x7] =	wrdreg s11  }
0x1b: {  	v0 =	vimm.f32 $0.0e+00;
	v4 =	vlaneseq.u32;
	s11 =	simm.s32 $0x7100;
	s0 =	simm.s32 $0xF900;
	s12 =	sadd.s32 $0x1200, s6  }
0x1c: {  	v1 =	vimm.f32 $1.000000000e+00;
	vm0 =	vmmov $0xffff;
	v3 =	vshrl.u32 v4, $0x3;
	s6 =	ssub.s32 s18, s20;
	s18 =	simm.s32 $0x9100;
	s20 =	simm.s32 $0xA100  }
0x1d: {  	v2 =	vand.u32 $0x7, v4;
	v4 =	vor.u32 $0x8, v4;
	v3 =	vmul.u32 $0x8, v3;
	[dreg:$0x8] =	wrdreg s12;
	s6 =	smax.u32 s6, $0x1;
	s12 =	simm.s32 $0x7900  }
.LBB2_1:
0x1e: {  	s2 =	rddreg [dreg:$0x6]  }
0x1f: {  	[tilespmem:s4], [sflag:$0x2] =	stream.linear.gather [hbm4b:s2+s4], $0x100, $0x38;
	[tilespmem:$0x10580] =	vst v63  }
0x20: {  	_ =	swait.ge [sflag:s7], $0x100  }
0x21: {  	[sflag:s7] =	ssyncset.done $0x0  }
0x22: {  	[sflag:s7] =	ssyncadd.s32 $0xFFFFFF00  }
0x23: {  	[tilespmem:$0x10180] =	vst v0  }
0x24: {  	[tilespmem:$0x10190] =	vst v0  }
0x25: {  	[tilespmem:$0x101A0] =	vst v0  }
0x26: {  	[tilespmem:$0x101B0] =	vst v0  }
0x27: {  	[tilespmem:$0x101C0] =	vst v0  }
0x28: {  	[tilespmem:$0x101D0] =	vst v0  }
0x29: {  	[tilespmem:$0x101E0] =	vst v0  }
0x2a: {  	[tilespmem:$0x101F0] =	vst v0  }
0x2b: {  	[tilespmem:$0x10200] =	vst v0  }
0x2c: {  	[tilespmem:$0x10210] =	vst v0  }
0x2d: {  	[tilespmem:$0x10220] =	vst v0  }
0x2e: {  	[tilespmem:$0x10230] =	vst v0  }
0x2f: {  	[tilespmem:$0x10240] =	vst v0  }
0x30: {  	[tilespmem:$0x10250] =	vst v0  }
0x31: {  	[tilespmem:$0x10260] =	vst v0  }
0x32: {  	[tilespmem:$0x10270] =	vst v0  }
0x33: {  	[tilespmem:$0x10280] =	vst v0  }
0x34: {  	[tilespmem:$0x10290] =	vst v0  }
0x35: {  	[tilespmem:$0x102A0] =	vst v0  }
0x36: {  	[tilespmem:$0x102B0] =	vst v0  }
0x37: {  	[tilespmem:$0x102C0] =	vst v0  }
0x38: {  	[tilespmem:$0x102D0] =	vst v0  }
0x39: {  	[tilespmem:$0x102E0] =	vst v0  }
0x3a: {  	[tilespmem:$0x102F0] =	vst v0  }
0x3b: {  	[tilespmem:$0x10300] =	vst v0  }
0x3c: {  	[tilespmem:$0x10310] =	vst v0  }
0x3d: {  	[tilespmem:$0x10320] =	vst v0  }
0x3e: {  	[tilespmem:$0x10330] =	vst v0  }
0x3f: {  	[tilespmem:$0x10340] =	vst v0  }
0x40: {  	[tilespmem:$0x10350] =	vst v0  }
0x41: {  	[tilespmem:$0x10360] =	vst v0  }
0x42: {  	[tilespmem:$0x10370] =	vst v0  }
0x43: {  	[spmem:s5] =	stream.linear.scatter [tilespmem:s8], [sflag:$0x2], $0x200, $0x38;
	[tilespmem:$0x10580] =	vst v63  }
0x44: {  	_ =	swait.ge [sflag:s7], $0x200  }
0x45: {  	[sflag:s7] =	ssyncset.done $0x0  }
0x46: {  	[sflag:s7] =	ssyncadd.s32 $0xFFFFFE00  }
0x47: {  	[tilespmem:$0x10100] =	vst v1  }
0x48: {  	[tilespmem:$0x10110] =	vst v1  }
0x49: {  	[tilespmem:$0x10120] =	vst v1  }
0x4a: {  	[tilespmem:$0x10130] =	vst v1  }
0x4b: {  	[tilespmem:$0x10140] =	vst v1  }
0x4c: {  	[tilespmem:$0x10150] =	vst v1  }
0x4d: {  	[tilespmem:$0x10160] =	vst v1  }
0x4e: {  	[tilespmem:$0x10170] =	vst v1  }
0x4f: {  	[bflag:$0x0] =	sbarrier.arrive $0xFFFF  }
0x50: {  	v5 =	vld [tilespmem:$0x0];
	_ =	sdelay $0x4  }
0x51: {  	v6 =	vshll.u32 v5, $0x1  }
0x52: {  	v5 =	vand.u32 $0x7, v5;
	v6 =	vand.u32 $0xFFFFFFF0, v6  }
0x53: {  	v5 =	vor.u32 v5, v6  }
0x54: {  	v6 =	vperm.xlane v5, v2;
	_ =	sdelay $0x1  }
0x55: {  	v5 =	vperm.xlane v5, v4;
	v6 =	vadd.s32 v3, v6;
	_ =	sdelay $0x1  }
0x56: {  	v5 =	vadd.s32 v3, v5;
	_ =	sdelay $0x2  }
0x57: {  	[tilespmem:s9], [sflag:$0x1] =	stream.indirect_vreg.gather [hbm4b:s1+s4], $0x80, v6, vm0, $0xb8;
	[tilespmem:$0x10580] =	vst v63  }
0x58: {  	s10 =	rddreg [dreg:$0x9]  }
0x59: {  	[tilespmem:s10], [sflag:$0x1] =	stream.indirect_vreg.gather [hbm4b:s1+s4], $0x80, v5, vm0, $0xb8;
	[tilespmem:$0x10580] =	vst v63  }
0x5a: {  	v5 =	vld [tilespmem:$0x10];
	_ =	sdelay $0x4  }
0x5b: {  	v6 =	vshll.u32 v5, $0x1  }
0x5c: {  	v5 =	vand.u32 $0x7, v5;
	v6 =	vand.u32 $0xFFFFFFF0, v6  }
0x5d: {  	v5 =	vor.u32 v5, v6  }
0x5e: {  	v6 =	vperm.xlane v5, v2;
	_ =	sdelay $0x1  }
0x5f: {  	v5 =	vperm.xlane v5, v4;
	v6 =	vadd.s32 v3, v6;
	_ =	sdelay $0x1  }
0x60: {  	v5 =	vadd.s32 v3, v5;
	_ =	sdelay $0x1  }
0x61: {  	s2 =	rddreg [dreg:$0xa]  }
0x62: {  	[tilespmem:s2], [sflag:$0x1] =	stream.indirect_vreg.gather [hbm4b:s1+s4], $0x80, v6, vm0, $0xb8;
	[tilespmem:$0x10580] =	vst v63  }
0x63: {  	s10 =	rddreg [dreg:$0xb]  }
0x64: {  	[tilespmem:s10], [sflag:$0x1] =	stream.indirect_vreg.gather [hbm4b:s1+s4], $0x80, v5, vm0, $0xb8;
	[tilespmem:$0x10580] =	vst v63  }
0x65: {  	v5 =	vld [tilespmem:$0x20];
	_ =	sdelay $0x4  }
0x66: {  	v6 =	vshll.u32 v5, $0x1  }
0x67: {  	v5 =	vand.u32 $0x7, v5;
	v6 =	vand.u32 $0xFFFFFFF0, v6  }
0x68: {  	v5 =	vor.u32 v5, v6  }
0x69: {  	v6 =	vperm.xlane v5, v2;
	_ =	sdelay $0x1  }
0x6a: {  	v5 =	vperm.xlane v5, v4;
	v6 =	vadd.s32 v3, v6;
	_ =	sdelay $0x1  }
0x6b: {  	v5 =	vadd.s32 v3, v5;
	_ =	sdelay $0x1  }
0x6c: {  	s2 =	rddreg [dreg:$0xc]  }
0x6d: {  	[tilespmem:s2], [sflag:$0x1] =	stream.indirect_vreg.gather [hbm4b:s1+s4], $0x80, v6, vm0, $0xb8;
	[tilespmem:$0x10580] =	vst v63  }
0x6e: {  	s10 =	rddreg [dreg:$0xd]  }
0x6f: {  	[tilespmem:s10], [sflag:$0x1] =	stream.indirect_vreg.gather [hbm4b:s1+s4], $0x80, v5, vm0, $0xb8;
	[tilespmem:$0x10580] =	vst v63  }
0x70: {  	v5 =	vld [tilespmem:$0x30];
	_ =	sdelay $0x4  }
0x71: {  	v6 =	vshll.u32 v5, $0x1  }
0x72: {  	v5 =	vand.u32 $0x7, v5;
	v6 =	vand.u32 $0xFFFFFFF0, v6  }
0x73: {  	v5 =	vor.u32 v5, v6  }
0x74: {  	v6 =	vperm.xlane v5, v2;
	_ =	sdelay $0x1  }
0x75: {  	v5 =	vperm.xlane v5, v4;
	v6 =	vadd.s32 v3, v6;
	_ =	sdelay $0x1  }
0x76: {  	v5 =	vadd.s32 v3, v5;
	_ =	sdelay $0x1  }
0x77: {  	s2 =	rddreg [dreg:$0xe]  }
0x78: {  	[tilespmem:s2], [sflag:$0x1] =	stream.indirect_vreg.gather [hbm4b:s1+s4], $0x80, v6, vm0, $0xb8;
	[tilespmem:$0x10580] =	vst v63  }
0x79: {  	s10 =	rddreg [dreg:$0xf]  }
0x7a: {  	[tilespmem:s10], [sflag:$0x1] =	stream.indirect_vreg.gather [hbm4b:s1+s4], $0x80, v5, vm0, $0xb8;
	[tilespmem:$0x10580] =	vst v63  }
0x7b: {  	v5 =	vld [tilespmem:$0x40];
	_ =	sdelay $0x4  }
0x7c: {  	v6 =	vshll.u32 v5, $0x1  }
0x7d: {  	v5 =	vand.u32 $0x7, v5;
	v6 =	vand.u32 $0xFFFFFFF0, v6  }
0x7e: {  	v5 =	vor.u32 v5, v6  }
0x7f: {  	v6 =	vperm.xlane v5, v2;
	_ =	sdelay $0x1  }
0x80: {  	v5 =	vperm.xlane v5, v4;
	v6 =	vadd.s32 v3, v6;
	_ =	sdelay $0x1  }
0x81: {  	v5 =	vadd.s32 v3, v5;
	_ =	sdelay $0x1  }
0x82: {  	s2 =	rddreg [dreg:$0x10]  }
0x83: {  	[tilespmem:s2], [sflag:$0x1] =	stream.indirect_vreg.gather [hbm4b:s1+s4], $0x80, v6, vm0, $0xb8;
	[tilespmem:$0x10580] =	vst v63  }
0x84: {  	s10 =	rddreg [dreg:$0x11]  }
0x85: {  	[tilespmem:s10], [sflag:$0x1] =	stream.indirect_vreg.gather [hbm4b:s1+s4], $0x80, v5, vm0, $0xb8;
	[tilespmem:$0x10580] =	vst v63  }
0x86: {  	v5 =	vld [tilespmem:$0x50];
	_ =	sdelay $0x4  }
0x87: {  	v6 =	vshll.u32 v5, $0x1  }
0x88: {  	v5 =	vand.u32 $0x7, v5;
	v6 =	vand.u32 $0xFFFFFFF0, v6  }
0x89: {  	v5 =	vor.u32 v5, v6  }
0x8a: {  	v6 =	vperm.xlane v5, v2;
	_ =	sdelay $0x1  }
0x8b: {  	v5 =	vperm.xlane v5, v4;
	v6 =	vadd.s32 v3, v6;
	_ =	sdelay $0x1  }
0x8c: {  	v5 =	vadd.s32 v3, v5;
	_ =	sdelay $0x1  }
0x8d: {  	s2 =	rddreg [dreg:$0x12]  }
0x8e: {  	[tilespmem:s2], [sflag:$0x1] =	stream.indirect_vreg.gather [hbm4b:s1+s4], $0x80, v6, vm0, $0xb8;
	[tilespmem:$0x10580] =	vst v63  }
0x8f: {  	s10 =	rddreg [dreg:$0x13]  }
0x90: {  	[tilespmem:s10], [sflag:$0x1] =	stream.indirect_vreg.gather [hbm4b:s1+s4], $0x80, v5, vm0, $0xb8;
	[tilespmem:$0x10580] =	vst v63  }
0x91: {  	v5 =	vld [tilespmem:$0x60];
	_ =	sdelay $0x4  }
0x92: {  	v6 =	vshll.u32 v5, $0x1  }
0x93: {  	v5 =	vand.u32 $0x7, v5;
	v6 =	vand.u32 $0xFFFFFFF0, v6  }
0x94: {  	v5 =	vor.u32 v5, v6  }
0x95: {  	v6 =	vperm.xlane v5, v2;
	_ =	sdelay $0x1  }
0x96: {  	v5 =	vperm.xlane v5, v4;
	v6 =	vadd.s32 v3, v6;
	_ =	sdelay $0x1  }
0x97: {  	v5 =	vadd.s32 v3, v5;
	_ =	sdelay $0x1  }
0x98: {  	s10 =	rddreg [dreg:$0x14]  }
0x99: {  	[tilespmem:s10], [sflag:$0x1] =	stream.indirect_vreg.gather [hbm4b:s1+s4], $0x80, v6, vm0, $0xb8;
	[tilespmem:$0x10580] =	vst v63  }
0x9a: {  	s10 =	simm.s32 $0x6900  }
0x9b: {  	[tilespmem:s10], [sflag:$0x1] =	stream.indirect_vreg.gather [hbm4b:s1+s4], $0x80, v5, vm0, $0xb8;
	[tilespmem:$0x10580] =	vst v63  }
0x9c: {  	v5 =	vld [tilespmem:$0x70];
	_ =	sdelay $0x4  }
0x9d: {  	v6 =	vshll.u32 v5, $0x1  }
0x9e: {  	v5 =	vand.u32 $0x7, v5;
	v6 =	vand.u32 $0xFFFFFFF0, v6  }
0x9f: {  	v5 =	vor.u32 v5, v6  }
0xa0: {  	v6 =	vperm.xlane v5, v2;
	_ =	sdelay $0x1  }
0xa1: {  	v5 =	vperm.xlane v5, v4;
	v6 =	vadd.s32 v3, v6;
	_ =	sdelay $0x1  }
0xa2: {  	v5 =	vadd.s32 v3, v5;
	_ =	sdelay $0x2  }
0xa3: {  	[tilespmem:s11], [sflag:$0x1] =	stream.indirect_vreg.gather [hbm4b:s1+s4], $0x80, v6, vm0, $0xb8;
	[tilespmem:$0x10580] =	vst v63  }
0xa4: {  	_ = 	snop  }
0xa5: {  	[tilespmem:s12], [sflag:$0x1] =	stream.indirect_vreg.gather [hbm4b:s1+s4], $0x80, v5, vm0, $0xb8;
	[tilespmem:$0x10580] =	vst v63  }
0xa6: {  	_ =	swait.ge [sflag:s13], $0x8000  }
0xa7: {  	[sflag:s13] =	ssyncset.done $0x0  }
0xa8: {  	[sflag:s13] =	ssyncadd.s32 $0xFFFF8000  }
0xa9: {  	[spmem:s3] =	stream.indirect.scatter.add.f32 [tilespmem:s15], [sflag:$0x2], $0x1, s4, s14, $0xb8;
	[tilespmem:$0x10580] =	vst v63  }
0xaa: {  	_ =	swait.ge [sflag:s7], $0x80  }
0xab: {  	[sflag:s7] =	ssyncset.done $0x0  }
0xac: {  	[sflag:s7] =	ssyncadd.s32 $0xFFFFFF80  }
0xad: {  	v5 =	vld [tilespmem:$0x80];
	_ =	sdelay $0x4  }
0xae: {  	v6 =	vshll.u32 v5, $0x1  }
0xaf: {  	v5 =	vand.u32 $0x7, v5;
	v6 =	vand.u32 $0xFFFFFFF0, v6  }
0xb0: {  	v5 =	vor.u32 v5, v6  }
0xb1: {  	v6 =	vperm.xlane v5, v2;
	_ =	sdelay $0x1  }
0xb2: {  	v5 =	vperm.xlane v5, v4;
	v6 =	vadd.s32 v3, v6;
	_ =	sdelay $0x1  }
0xb3: {  	v5 =	vadd.s32 v3, v5;
	_ =	sdelay $0x2  }
0xb4: {  	[tilespmem:s16], [sflag:$0x1] =	stream.indirect_vreg.gather [hbm4b:s1+s4], $0x80, v6, vm0, $0xb8;
	[tilespmem:$0x10580] =	vst v63  }
0xb5: {  	_ = 	snop  }
0xb6: {  	[tilespmem:s17], [sflag:$0x1] =	stream.indirect_vreg.gather [hbm4b:s1+s4], $0x80, v5, vm0, $0xb8;
	[tilespmem:$0x10580] =	vst v63  }
0xb7: {  	v5 =	vld [tilespmem:$0x90];
	_ =	sdelay $0x4  }
0xb8: {  	v6 =	vshll.u32 v5, $0x1  }
0xb9: {  	v5 =	vand.u32 $0x7, v5;
	v6 =	vand.u32 $0xFFFFFFF0, v6  }
0xba: {  	v5 =	vor.u32 v5, v6  }
0xbb: {  	v6 =	vperm.xlane v5, v2;
	_ =	sdelay $0x1  }
0xbc: {  	v5 =	vperm.xlane v5, v4;
	v6 =	vadd.s32 v3, v6;
	_ =	sdelay $0x1  }
0xbd: {  	v5 =	vadd.s32 v3, v5;
	_ =	sdelay $0x2  }
0xbe: {  	[tilespmem:s18], [sflag:$0x1] =	stream.indirect_vreg.gather [hbm4b:s1+s4], $0x80, v6, vm0, $0xb8;
	[tilespmem:$0x10580] =	vst v63  }
0xbf: {  	_ = 	snop  }
0xc0: {  	[tilespmem:s19], [sflag:$0x1] =	stream.indirect_vreg.gather [hbm4b:s1+s4], $0x80, v5, vm0, $0xb8;
	[tilespmem:$0x10580] =	vst v63  }
0xc1: {  	v5 =	vld [tilespmem:$0xA0];
	_ =	sdelay $0x4  }
0xc2: {  	v6 =	vshll.u32 v5, $0x1  }
0xc3: {  	v5 =	vand.u32 $0x7, v5;
	v6 =	vand.u32 $0xFFFFFFF0, v6  }
0xc4: {  	v5 =	vor.u32 v5, v6  }
0xc5: {  	v6 =	vperm.xlane v5, v2;
	_ =	sdelay $0x1  }
0xc6: {  	v5 =	vperm.xlane v5, v4;
	v6 =	vadd.s32 v3, v6;
	_ =	sdelay $0x1  }
0xc7: {  	v5 =	vadd.s32 v3, v5;
	_ =	sdelay $0x2  }
0xc8: {  	[tilespmem:s20], [sflag:$0x1] =	stream.indirect_vreg.gather [hbm4b:s1+s4], $0x80, v6, vm0, $0xb8;
	[tilespmem:$0x10580] =	vst v63  }
0xc9: {  	_ = 	snop  }
0xca: {  	[tilespmem:s21], [sflag:$0x1] =	stream.indirect_vreg.gather [hbm4b:s1+s4], $0x80, v5, vm0, $0xb8;
	[tilespmem:$0x10580] =	vst v63  }
0xcb: {  	v5 =	vld [tilespmem:$0xB0];
	_ =	sdelay $0x4  }
0xcc: {  	v6 =	vshll.u32 v5, $0x1  }
0xcd: {  	v5 =	vand.u32 $0x7, v5;
	v6 =	vand.u32 $0xFFFFFFF0, v6  }
0xce: {  	v5 =	vor.u32 v5, v6  }
0xcf: {  	v6 =	vperm.xlane v5, v2;
	_ =	sdelay $0x1  }
0xd0: {  	v5 =	vperm.xlane v5, v4;
	v6 =	vadd.s32 v3, v6;
	_ =	sdelay $0x1  }
0xd1: {  	v5 =	vadd.s32 v3, v5;
	_ =	sdelay $0x2  }
0xd2: {  	[tilespmem:s22], [sflag:$0x1] =	stream.indirect_vreg.gather [hbm4b:s1+s4], $0x80, v6, vm0, $0xb8;
	[tilespmem:$0x10580] =	vst v63  }
0xd3: {  	_ = 	snop  }
0xd4: {  	[tilespmem:s23], [sflag:$0x1] =	stream.indirect_vreg.gather [hbm4b:s1+s4], $0x80, v5, vm0, $0xb8;
	[tilespmem:$0x10580] =	vst v63  }
0xd5: {  	v5 =	vld [tilespmem:$0xC0];
	_ =	sdelay $0x4  }
0xd6: {  	v6 =	vshll.u32 v5, $0x1  }
0xd7: {  	v5 =	vand.u32 $0x7, v5;
	v6 =	vand.u32 $0xFFFFFFF0, v6  }
0xd8: {  	v5 =	vor.u32 v5, v6  }
0xd9: {  	v6 =	vperm.xlane v5, v2;
	_ =	sdelay $0x1  }
0xda: {  	v5 =	vperm.xlane v5, v4;
	v6 =	vadd.s32 v3, v6;
	_ =	sdelay $0x1  }
0xdb: {  	v5 =	vadd.s32 v3, v5;
	_ =	sdelay $0x2  }
0xdc: {  	[tilespmem:s24], [sflag:$0x1] =	stream.indirect_vreg.gather [hbm4b:s1+s4], $0x80, v6, vm0, $0xb8;
	[tilespmem:$0x10580] =	vst v63  }
0xdd: {  	_ = 	snop  }
0xde: {  	[tilespmem:s25], [sflag:$0x1] =	stream.indirect_vreg.gather [hbm4b:s1+s4], $0x80, v5, vm0, $0xb8;
	[tilespmem:$0x10580] =	vst v63  }
0xdf: {  	v5 =	vld [tilespmem:$0xD0];
	_ =	sdelay $0x4  }
0xe0: {  	v6 =	vshll.u32 v5, $0x1  }
0xe1: {  	v5 =	vand.u32 $0x7, v5;
	v6 =	vand.u32 $0xFFFFFFF0, v6  }
0xe2: {  	v5 =	vor.u32 v5, v6  }
0xe3: {  	v6 =	vperm.xlane v5, v2;
	_ =	sdelay $0x1  }
0xe4: {  	v5 =	vperm.xlane v5, v4;
	v6 =	vadd.s32 v3, v6;
	_ =	sdelay $0x1  }
0xe5: {  	v5 =	vadd.s32 v3, v5;
	_ =	sdelay $0x2  }
0xe6: {  	[tilespmem:s26], [sflag:$0x1] =	stream.indirect_vreg.gather [hbm4b:s1+s4], $0x80, v6, vm0, $0xb8;
	[tilespmem:$0x10580] =	vst v63  }
0xe7: {  	_ = 	snop  }
0xe8: {  	[tilespmem:s28], [sflag:$0x1] =	stream.indirect_vreg.gather [hbm4b:s1+s4], $0x80, v5, vm0, $0xb8;
	[tilespmem:$0x10580] =	vst v63  }
0xe9: {  	v5 =	vld [tilespmem:$0xE0];
	_ =	sdelay $0x4  }
0xea: {  	v6 =	vshll.u32 v5, $0x1  }
0xeb: {  	v5 =	vand.u32 $0x7, v5;
	v6 =	vand.u32 $0xFFFFFFF0, v6  }
0xec: {  	v5 =	vor.u32 v5, v6  }
0xed: {  	v6 =	vperm.xlane v5, v2;
	_ =	sdelay $0x1  }
0xee: {  	v5 =	vperm.xlane v5, v4;
	v6 =	vadd.s32 v3, v6;
	_ =	sdelay $0x1  }
0xef: {  	v5 =	vadd.s32 v3, v5;
	_ =	sdelay $0x2  }
0xf0: {  	[tilespmem:s29], [sflag:$0x1] =	stream.indirect_vreg.gather [hbm4b:s1+s4], $0x80, v6, vm0, $0xb8;
	[tilespmem:$0x10580] =	vst v63  }
0xf1: {  	_ = 	snop  }
0xf2: {  	[tilespmem:s30], [sflag:$0x1] =	stream.indirect_vreg.gather [hbm4b:s1+s4], $0x80, v5, vm0, $0xb8;
	[tilespmem:$0x10580] =	vst v63  }
0xf3: {  	v5 =	vld [tilespmem:$0xF0];
	_ =	sdelay $0x4  }
0xf4: {  	v6 =	vshll.u32 v5, $0x1  }
0xf5: {  	v5 =	vand.u32 $0x7, v5;
	v6 =	vand.u32 $0xFFFFFFF0, v6  }
0xf6: {  	v5 =	vor.u32 v5, v6  }
0xf7: {  	v6 =	vperm.xlane v5, v2;
	_ =	sdelay $0x1  }
0xf8: {  	v5 =	vperm.xlane v5, v4;
	v6 =	vadd.s32 v3, v6;
	_ =	sdelay $0x1  }
0xf9: {  	v5 =	vadd.s32 v3, v5;
	_ =	sdelay $0x2  }
0xfa: {  	[tilespmem:s31], [sflag:$0x1] =	stream.indirect_vreg.gather [hbm4b:s1+s4], $0x80, v6, vm0, $0xb8;
	[tilespmem:$0x10580] =	vst v63  }
0xfb: {  	_ = 	snop  }
0xfc: {  	[tilespmem:s0], [sflag:$0x1] =	stream.indirect_vreg.gather [hbm4b:s1+s4], $0x80, v5, vm0, $0xb8;
	[tilespmem:$0x10580] =	vst v63  }
0xfd: {  	_ =	swait.ge [sflag:s13], $0x8000  }
0xfe: {  	[sflag:s13] =	ssyncset.done $0x0  }
0xff: {  	[sflag:s13] =	ssyncadd.s32 $0xFFFF8000  }
0x100: {  	[spmem:s3] =	stream.indirect.scatter.add.f32 [tilespmem:s15], [sflag:$0x2], $0x1, s14, s14, $0xb8;
	[tilespmem:$0x10580] =	vst v63  }
0x101: {  	_ =	swait.ge [sflag:s7], $0x80  }
0x102: {  	[sflag:s7] =	ssyncset.done $0x0  }
0x103: {  	s10 =	rddreg [dreg:$0x7];
	[sflag:s7] =	ssyncadd.s32 $0xFFFFFF80  }
0x104: {  	[hbm4b:s10+s4] =	stream.linear.scatter [tilespmem:s9], [sflag:$0x2], $0x10000, $0x38;
	[tilespmem:$0x10580] =	vst v63  }
0x105: {  	_ =	swait.ge [sflag:s7], $0x10000  }
0x106: {  	[sflag:s7] =	ssyncset.done $0x0  }
0x107: {  	[sflag:s7] =	ssyncadd.s32 $0xFFFF0000  }
0x108: {  	[bflag:$0x0] =	sbarrier.arrive $0xFFFF  }
0x109: {  	[tilespmem:s8], [sflag:$0x2] =	stream.linear.gather [spmem:s5], $0x200, $0x38;
	[tilespmem:$0x10580] =	vst v63  }
0x10a: {  	_ =	swait.ge [sflag:s7], $0x200  }
0x10b: {  	p0 =	sne.s32 s6, $0x1;
	[sflag:s7] =	ssyncset.done $0x0  }
.Ltmp0:
0x10c: {  	s10 =	rddreg [dreg:$0x8];
	[sflag:s7] =	ssyncadd.s32 $0xFFFFFE00;
	(pc) =	sbr.rel @p0 .LBB2_1-.Ltmp0, $4  }
0x10d: {  	[hbm4b:s10+s4] =	stream.linear.scatter [tilespmem:s8], [sflag:$0x2], $0x200, $0x38;
	[tilespmem:$0x10580] =	vst v63  }
0x10e: {  	_ =	swait.ge [sflag:s7], $0x200  }
0x10f: {  	[sflag:s7] =	ssyncset.done $0x0  }
0x110: {  	s6 =	sadd.s32 $0xFFFFFFFF, s6;
	[sflag:s7] =	ssyncadd.s32 $0xFFFFFE00  }
0x111: {  	_ =	sfence.sel $0x180000  }
0x112: {  	[bflag:$0x0] =	sbarrier.arrive $0xFFFF  }
0x113: {  	_ =	strace $0x90000047  }
0x114: {  	s0 =	stileid.u32;
	[bflag:$0x2] =	sbarrier.arrive $0xFFFF  }
0x115: {  	p0 =	sne.s32 s0, $0x0;
	s0 =	rddreg [dreg:$0x5]  }
0x116: {  	s0 =	sadd.s32 @!p0 $0x100000, s0  }
0x117: {  	[sflag:s0] =	ssyncadd.tile.s32 @!p0 $0x1;
	_ =	shalt  }
.Lfunc_end2:
_tile_overlayer_lowered:
.L_overlay_start_2:
0x118: {  	(tag) =	ssettag $0x2  }
0x119: {  	s0 =	rddreg [dreg:$0x0];
	s2 =	stileid.u32  }
0x11a: {  	s1 =	rddreg [dreg:$0x1];
	p0 =	sne.s32 s2, $0x0  }
0x11b: {  	s3 =	rddreg [dreg:$0x2];
	[bflag:$0x3] =	sbarrier.arrive $0xFFFF;
	s2 =	simm.s32 @!p0 $0x1C02  }
0x11c: {  	[timem:s3], [sflag:s2] =	dma.local @!p0 [hbm:s0], s1  }
0x11d: {  	s0 =	simm.s32 @!p0 $0x2  }
0x11e: {  	_ =	swait.ge @!p0 [sflag:s0], s1  }
0x11f: {  	s1 =	ssub.s32 @!p0 $0x0, s1;
	[sflag:s0] =	ssyncset.done @!p0 $0x0  }
0x120: {  	[sflag:s0] =	ssyncadd.s32 @!p0 s1  }
0x121: {  	[bflag:$0x3] =	sbarrier.arrive $0xFFFF  }
0x122: {  	_ =	shalt  }

</sc_bundles>
